<compile_context>
chip_gen: v7x
topology: tpu7x:2x2x1
jax: 0.10.2.dev20260603
libtpu: 0.0.44.dev20260713+nightly
codegen_flags: <defaults>
</compile_context>

<pallas_src>
import functools

import jax
import jax.numpy as jnp
from jax import lax
from jax.experimental import pallas as pl
from jax.experimental.pallas import tpu as pltpu
from jax.experimental.pallas import tpu_sc as plsc

N = 10000
D = 128
H1 = 64
H2 = 32
E = 320000

NCORES = 2
NSUB = 16
NW = NCORES * NSUB
CHUNK = 128
NCH = 79
NCH0 = 65
NCH1 = 93
EPAD = NW * NCH * CHUNK
NP = 10112
RPT = NP // NSUB
NBLK = 16
MROWS = NP // NBLK


def _spmm_sc(src_c, dst_c, h, zeros):
    F = h.shape[1]
    mesh = plsc.VectorSubcoreMesh(core_axis_name="c", subcore_axis_name="s")

    @functools.partial(
        pl.kernel,
        out_type=jax.ShapeDtypeStruct((NCORES, NP, F), jnp.float32),
        mesh=mesh,
        scratch_types=[
            pltpu.VMEM((NCH1, CHUNK), jnp.int32),
            pltpu.VMEM((NCH1, CHUNK), jnp.int32),
            pltpu.VMEM((CHUNK, F), jnp.float32),
            pltpu.VMEM_SHARED((NP, F), jnp.float32),
        ],
        compiler_params=pltpu.CompilerParams(use_tc_tiling_on_sc=False),
    )
    def spmm(src_hbm, dst_hbm, h_hbm, z_hbm, out_hbm,
             src_v, dst_v, rows_v, acc):
        c = lax.axis_index("c")
        s = lax.axis_index("s")
        w = c * NSUB + s
        row0 = s * RPT
        pltpu.sync_copy(z_hbm.at[pl.ds(row0, RPT)], acc.at[pl.ds(row0, RPT)])
        pltpu.sync_copy(src_hbm.at[w], src_v)
        pltpu.sync_copy(dst_hbm.at[w], dst_v)
        plsc.subcore_barrier()

        nch = jnp.where(c == 0, NCH1, NCH0)

        @pl.loop(0, nch)
        def _(j):
            pltpu.sync_copy(h_hbm.at[src_v.at[j]], rows_v)
            pltpu.sync_copy(rows_v, acc.at[dst_v.at[j]], add=True)

        plsc.subcore_barrier()
        pltpu.sync_copy(acc.at[pl.ds(row0, RPT)],
                        out_hbm.at[c, pl.ds(row0, RPT)])

    return spmm(src_c, dst_c, h, zeros)


def _mm_body(x_ref, w_ref, o_ref):
    o_ref[...] = jnp.dot(x_ref[...], w_ref[...],
                         preferred_element_type=jnp.float32)


def _mid_body(p_ref, w_ref, o_ref):
    h = jnp.maximum(p_ref[0] + p_ref[1], 0.0)
    o_ref[...] = jnp.dot(h, w_ref[...], preferred_element_type=jnp.float32)


def _reparam_body(q_ref, eps_ref, z_ref, mu_ref, lv_ref):
    mu = q_ref[0, :, :H2] + q_ref[1, :, :H2]
    lv = q_ref[0, :, H2:] + q_ref[1, :, H2:]
    mu_ref[...] = mu
    lv_ref[...] = lv
    z_ref[...] = eps_ref[...] * jnp.exp(lv) + mu


def _outer_body(zi_ref, zj_ref, o_ref):
    o_ref[...] = lax.dot_general(zi_ref[...], zj_ref[...],
                                 (((1,), (1,)), ((), ())),
                                 preferred_element_type=jnp.float32)


_RB = 2000
_OB = 400


def kernel(x, edge_index, W1, W2, W3):
    pad = EPAD - E

    def _partition(flat):
        ch = flat.reshape(NW * NCH, CHUNK)
        c0 = ch[:NSUB * NCH1].reshape(NSUB, NCH1, CHUNK)
        c1 = ch[NSUB * NCH1:].reshape(NSUB, NCH0, CHUNK)
        c1 = jnp.pad(c1, ((0, 0), (0, NCH1 - NCH0), (0, 0)))
        return jnp.concatenate([c0, c1], axis=0)

    src_c = _partition(jnp.concatenate(
        [edge_index[0], jnp.zeros((pad,), jnp.int32)]))
    pad_dst = N + (jnp.arange(pad, dtype=jnp.int32) % (NP - N))
    dst_c = _partition(jnp.concatenate([edge_index[1], pad_dst]))
    zeros64 = jnp.zeros((NP, H1), jnp.float32)
    eps = jax.random.normal(jax.random.key(42), (NP, H2), dtype=jnp.float32)
    W23 = jnp.concatenate([W2, W3], axis=1)

    h0 = pl.pallas_call(
        _mm_body,
        grid=(N // _RB,),
        in_specs=[pl.BlockSpec((_RB, D), lambda i: (i, 0)),
                  pl.BlockSpec((D, H1), lambda i: (0, 0))],
        out_specs=pl.BlockSpec((_RB, H1), lambda i: (i, 0)),
        out_shape=jax.ShapeDtypeStruct((N, H1), jnp.float32),
    )(x, W1)

    h0p = jnp.concatenate([h0, jnp.zeros((NP - N, H1), jnp.float32)], axis=0)
    parts1 = _spmm_sc(src_c, dst_c, h0p, zeros64)

    h23 = pl.pallas_call(
        _mid_body,
        grid=(NBLK,),
        in_specs=[pl.BlockSpec((NCORES, MROWS, H1), lambda i: (0, i, 0)),
                  pl.BlockSpec((H1, H1), lambda i: (0, 0))],
        out_specs=pl.BlockSpec((MROWS, H1), lambda i: (i, 0)),
        out_shape=jax.ShapeDtypeStruct((NP, H1), jnp.float32),
    )(parts1, W23)

    parts2 = _spmm_sc(src_c, dst_c, h23, zeros64)

    z_p, mu_p, lv_p = pl.pallas_call(
        _reparam_body,
        grid=(NBLK,),
        in_specs=[pl.BlockSpec((NCORES, MROWS, H1), lambda i: (0, i, 0)),
                  pl.BlockSpec((MROWS, H2), lambda i: (i, 0))],
        out_specs=[pl.BlockSpec((MROWS, H2), lambda i: (i, 0)),
                   pl.BlockSpec((MROWS, H2), lambda i: (i, 0)),
                   pl.BlockSpec((MROWS, H2), lambda i: (i, 0))],
        out_shape=[jax.ShapeDtypeStruct((NP, H2), jnp.float32),
                   jax.ShapeDtypeStruct((NP, H2), jnp.float32),
                   jax.ShapeDtypeStruct((NP, H2), jnp.float32)],
    )(parts2, eps)

    pred_adj = pl.pallas_call(
        _outer_body,
        grid=(N // _OB,),
        in_specs=[pl.BlockSpec((_OB, H2), lambda i: (i, 0)),
                  pl.BlockSpec((N, H2), lambda i: (0, 0))],
        out_specs=pl.BlockSpec((_OB, N), lambda i: (i, 0)),
        out_shape=jax.ShapeDtypeStruct((N, N), jnp.float32),
    )(z_p, z_p)

    return (pred_adj, mu_p[:N], lv_p[:N])

# --- scband reference (transcript-rebuilt; emitter-appended) ---
"""Pipeline reference for scband-gcnmodel-vae-7215545057698 (READ-ONLY COPY).

The authoritative reference and input builder live on the scoring server;
editing this copy changes nothing except your own understanding.
"""

import jax, jax.numpy as jnp
import numpy as np

N = 10000
D = 128
H1 = 64
H2 = 32
E = 320000


def setup_inputs(seed: int = 0) -> dict:
    key = jax.random.key(seed)
    k1, k2, k3, k4, k5 = jax.random.split(key, 5)
    x = jax.random.normal(k1, (N, D), dtype=jnp.float32)
    edge_index = jax.random.randint(k2, (2, E), 0, N, dtype=jnp.int32)
    # learned parameters (glorot-ish init), no biases per standard VGAE GraphConvolution
    W1 = jax.random.normal(k3, (D, H1), dtype=jnp.float32) * (1.0 / np.sqrt(D))
    W2 = jax.random.normal(k4, (H1, H2), dtype=jnp.float32) * (1.0 / np.sqrt(H1))
    W3 = jax.random.normal(k5, (H1, H2), dtype=jnp.float32) * (1.0 / np.sqrt(H1))
    return {"x": x, "edge_index": edge_index, "W1": W1, "W2": W2, "W3": W3}


def _spmm(edge_index, h, n):
    # sparse adjacency matmul: out[dst] += h[src]  (gather + scatter-add)
    src = edge_index[0]
    dst = edge_index[1]
    msgs = jnp.take(h, src, axis=0)
    return jax.ops.segment_sum(msgs, dst, num_segments=n)


def reference(x, edge_index, W1, W2, W3):
    n = x.shape[0]
    # gc1: GraphConvolutionSparse with relu (dropout=0 -> identity in eval)
    hidden1 = jax.nn.relu(_spmm(edge_index, x @ W1, n))
    # gc2 / gc3: linear activation
    mu = _spmm(edge_index, hidden1 @ W2, n)
    logvar = _spmm(edge_index, hidden1 @ W3, n)
    # reparameterize: eps * exp(logvar) + mu (fixed key for determinism)
    std = jnp.exp(logvar)
    eps = jax.random.normal(jax.random.key(42), std.shape, dtype=std.dtype)
    z_u = eps * std + mu
    # InnerProductDecoder with identity activation
    pred_adj = z_u @ z_u.T
    return (pred_adj, mu, logvar)

if __name__ == "__main__":
    import jax
    _d = setup_inputs()
    print(jax.jit(kernel)(*tuple(_d.values())))

</pallas_src>

<mosaic_0001>
#map = affine_map<(d0, d1) -> (0, 0, 0)>
#map1 = affine_map<(d0, d1) -> (0, 0)>
module attributes {stable_mosaic.version = 14 : i64} {
  func.func @spmm(%arg0: i32, %arg1: i32, %arg2: memref<32x93x128xi32, #tpu.memory_space<hbm>>, %arg3: memref<32x93x128xi32, #tpu.memory_space<hbm>>, %arg4: memref<10112x64xf32, #tpu.memory_space<hbm>>, %arg5: memref<10112x64xf32, #tpu.memory_space<hbm>>, %arg6: memref<2x10112x64xf32, #tpu.memory_space<hbm>>, %arg7: memref<93x128xi32, #tpu.memory_space<vmem>>, %arg8: memref<93x128xi32, #tpu.memory_space<vmem>>, %arg9: memref<128x64xf32, #tpu.memory_space<vmem>>, %arg10: memref<10112x64xf32, #tpu.memory_space<vmem_shared>>) attributes {dimension_semantics = [#tpu.dimension_semantics<core_parallel>, #tpu.dimension_semantics<subcore_parallel>], iteration_bounds = array<i64: 2, 16>, scalar_prefetch = 0 : i64, scratch_operands = 4 : i64, tpu.core_type = #tpu.core_type<sc_vector_subcore>, window_params = [{transform_indices = #map}, {transform_indices = #map}, {transform_indices = #map1}, {transform_indices = #map1}, {transform_indices = #map}]} {
    %mul3A = arith.constant 16 : i32
    %mul3A_0 = arith.muli %arg0, %mul3A : i32
    %add3A = arith.addi %mul3A_0, %arg1 : i32
    %mul3A_1 = arith.constant 632 : i32
    %mul3A_2 = arith.muli %arg1, %mul3A_1 : i32
    "tpu.region"() ({
      %run_scoped3A = tpu.sem_alloc : memref<!tpu.dma_semaphore, #tpu.memory_space<semaphore_mem>>
      %dma_start3A = arith.constant 0 : i32
      %dma_start3A_22 = tpu.memref_slice %arg10[%mul3A_2, %dma_start3A] : memref<10112x64xf32, #tpu.memory_space<vmem_shared>> -> memref<632x64xf32, #tpu.memory_space<vmem_shared>>
      %dma_start3A_23 = arith.constant 0 : i32
      %dma_start3A_24 = tpu.memref_slice %arg5[%mul3A_2, %dma_start3A_23] : memref<10112x64xf32, #tpu.memory_space<hbm>> -> memref<632x64xf32, #tpu.memory_space<hbm>>
      tpu.enqueue_dma source(%dma_start3A_24 : memref<632x64xf32, #tpu.memory_space<hbm>>) target(%dma_start3A_22 : memref<632x64xf32, #tpu.memory_space<vmem_shared>>) target_semaphore(%run_scoped3A : memref<!tpu.dma_semaphore, #tpu.memory_space<semaphore_mem>>)
      %dma_wait3A = arith.constant 0 : i32
      %dma_wait3A_25 = tpu.memref_slice %arg10[%mul3A_2, %dma_wait3A] : memref<10112x64xf32, #tpu.memory_space<vmem_shared>> -> memref<632x64xf32, #tpu.memory_space<vmem_shared>>
      %dma_wait3A_26 = arith.constant 0 : i32
      %dma_wait3A_27 = tpu.memref_slice %arg5[%mul3A_2, %dma_wait3A_26] : memref<10112x64xf32, #tpu.memory_space<hbm>> -> memref<632x64xf32, #tpu.memory_space<hbm>>
      tpu.wait_dma2 semaphore(%run_scoped3A : memref<!tpu.dma_semaphore, #tpu.memory_space<semaphore_mem>>) src(%dma_wait3A_27 : memref<632x64xf32, #tpu.memory_space<hbm>>) dst(%dma_wait3A_25 : memref<632x64xf32, #tpu.memory_space<vmem_shared>>)
      tpu.yield
    }) : () -> ()
    "tpu.region"() ({
      %run_scoped3A = tpu.sem_alloc : memref<!tpu.dma_semaphore, #tpu.memory_space<semaphore_mem>>
      %dma_start3A = arith.constant 0 : i32
      %dma_start3A_22 = arith.constant 0 : i32
      %dma_start3A_23 = tpu.memref_slice %arg2[%add3A, %dma_start3A, %dma_start3A_22] : memref<32x93x128xi32, #tpu.memory_space<hbm>> -> memref<1x93x128xi32, #tpu.memory_space<hbm>>
      %dma_start3A_24 = tpu.memref_squeeze %dma_start3A_23 : memref<1x93x128xi32, #tpu.memory_space<hbm>> -> memref<93x128xi32, #tpu.memory_space<hbm>>
      %dma_start3A_25 = arith.constant 0 : i32
      %dma_start3A_26 = arith.constant 0 : i32
      %dma_start3A_27 = tpu.memref_slice %arg2[%add3A, %dma_start3A_25, %dma_start3A_26] : memref<32x93x128xi32, #tpu.memory_space<hbm>> -> memref<1x93x128xi32, #tpu.memory_space<hbm>>
      %dma_start3A_28 = tpu.memref_squeeze %dma_start3A_27 : memref<1x93x128xi32, #tpu.memory_space<hbm>> -> memref<93x128xi32, #tpu.memory_space<hbm>>
      tpu.enqueue_dma source(%dma_start3A_28 : memref<93x128xi32, #tpu.memory_space<hbm>>) target(%arg7 : memref<93x128xi32, #tpu.memory_space<vmem>>) target_semaphore(%run_scoped3A : memref<!tpu.dma_semaphore, #tpu.memory_space<semaphore_mem>>)
      %dma_wait3A = arith.constant 0 : i32
      %dma_wait3A_29 = arith.constant 0 : i32
      %dma_wait3A_30 = tpu.memref_slice %arg2[%add3A, %dma_wait3A, %dma_wait3A_29] : memref<32x93x128xi32, #tpu.memory_space<hbm>> -> memref<1x93x128xi32, #tpu.memory_space<hbm>>
      %dma_wait3A_31 = tpu.memref_squeeze %dma_wait3A_30 : memref<1x93x128xi32, #tpu.memory_space<hbm>> -> memref<93x128xi32, #tpu.memory_space<hbm>>
      %dma_wait3A_32 = arith.constant 0 : i32
      %dma_wait3A_33 = arith.constant 0 : i32
      %dma_wait3A_34 = tpu.memref_slice %arg2[%add3A, %dma_wait3A_32, %dma_wait3A_33] : memref<32x93x128xi32, #tpu.memory_space<hbm>> -> memref<1x93x128xi32, #tpu.memory_space<hbm>>
      %dma_wait3A_35 = tpu.memref_squeeze %dma_wait3A_34 : memref<1x93x128xi32, #tpu.memory_space<hbm>> -> memref<93x128xi32, #tpu.memory_space<hbm>>
      tpu.wait_dma2 semaphore(%run_scoped3A : memref<!tpu.dma_semaphore, #tpu.memory_space<semaphore_mem>>) src(%dma_wait3A_35 : memref<93x128xi32, #tpu.memory_space<hbm>>) dst(%arg7 : memref<93x128xi32, #tpu.memory_space<vmem>>)
      tpu.yield
    }) : () -> ()
    "tpu.region"() ({
      %run_scoped3A = tpu.sem_alloc : memref<!tpu.dma_semaphore, #tpu.memory_space<semaphore_mem>>
      %dma_start3A = arith.constant 0 : i32
      %dma_start3A_22 = arith.constant 0 : i32
      %dma_start3A_23 = tpu.memref_slice %arg3[%add3A, %dma_start3A, %dma_start3A_22] : memref<32x93x128xi32, #tpu.memory_space<hbm>> -> memref<1x93x128xi32, #tpu.memory_space<hbm>>
      %dma_start3A_24 = tpu.memref_squeeze %dma_start3A_23 : memref<1x93x128xi32, #tpu.memory_space<hbm>> -> memref<93x128xi32, #tpu.memory_space<hbm>>
      %dma_start3A_25 = arith.constant 0 : i32
      %dma_start3A_26 = arith.constant 0 : i32
      %dma_start3A_27 = tpu.memref_slice %arg3[%add3A, %dma_start3A_25, %dma_start3A_26] : memref<32x93x128xi32, #tpu.memory_space<hbm>> -> memref<1x93x128xi32, #tpu.memory_space<hbm>>
      %dma_start3A_28 = tpu.memref_squeeze %dma_start3A_27 : memref<1x93x128xi32, #tpu.memory_space<hbm>> -> memref<93x128xi32, #tpu.memory_space<hbm>>
      tpu.enqueue_dma source(%dma_start3A_28 : memref<93x128xi32, #tpu.memory_space<hbm>>) target(%arg8 : memref<93x128xi32, #tpu.memory_space<vmem>>) target_semaphore(%run_scoped3A : memref<!tpu.dma_semaphore, #tpu.memory_space<semaphore_mem>>)
      %dma_wait3A = arith.constant 0 : i32
      %dma_wait3A_29 = arith.constant 0 : i32
      %dma_wait3A_30 = tpu.memref_slice %arg3[%add3A, %dma_wait3A, %dma_wait3A_29] : memref<32x93x128xi32, #tpu.memory_space<hbm>> -> memref<1x93x128xi32, #tpu.memory_space<hbm>>
      %dma_wait3A_31 = tpu.memref_squeeze %dma_wait3A_30 : memref<1x93x128xi32, #tpu.memory_space<hbm>> -> memref<93x128xi32, #tpu.memory_space<hbm>>
      %dma_wait3A_32 = arith.constant 0 : i32
      %dma_wait3A_33 = arith.constant 0 : i32
      %dma_wait3A_34 = tpu.memref_slice %arg3[%add3A, %dma_wait3A_32, %dma_wait3A_33] : memref<32x93x128xi32, #tpu.memory_space<hbm>> -> memref<1x93x128xi32, #tpu.memory_space<hbm>>
      %dma_wait3A_35 = tpu.memref_squeeze %dma_wait3A_34 : memref<1x93x128xi32, #tpu.memory_space<hbm>> -> memref<93x128xi32, #tpu.memory_space<hbm>>
      tpu.wait_dma2 semaphore(%run_scoped3A : memref<!tpu.dma_semaphore, #tpu.memory_space<semaphore_mem>>) src(%dma_wait3A_35 : memref<93x128xi32, #tpu.memory_space<hbm>>) dst(%arg8 : memref<93x128xi32, #tpu.memory_space<vmem>>)
      tpu.yield
    }) : () -> ()
    %barrier3A = arith.constant 0 : index
    tpu.barrier barrier_id(%barrier3A)
    %eq3A = arith.constant 0 : i32
    %eq3A_3 = arith.cmpi eq, %arg0, %eq3A : i32
    %jit3A = arith.constant 93 : i32
    %jit3A_4 = arith.constant 65 : i32
    %select_n3A = arith.select %eq3A_3, %jit3A, %jit3A_4 : i32
    %sub3A = arith.constant 0 : i32
    %sub3A_5 = arith.subi %select_n3A, %sub3A : i32
    %sub3A_6 = arith.constant 1 : i32
    %sub3A_7 = arith.constant 1 : i32
    %sub3A_8 = arith.subi %sub3A_6, %sub3A_7 : i32
    %add3A_9 = arith.addi %sub3A_5, %sub3A_8 : i32
    %div3A = arith.constant 1 : i32
    %div3A_10 = arith.divsi %add3A_9, %div3A : i32
    %while3A = arith.constant 1 : i32
    %while3A_11 = arith.constant 0 : i32
    %while3A_12 = arith.constant 0 : i32
    %while3A_13 = arith.subi %div3A_10, %while3A_12 : i32
    %while3A_14 = arith.addi %while3A_12, %while3A_13 : i32
    %while3A_15 = arith.constant 1 : i32
    %while3A_16 = arith.divsi %while3A_13, %while3A_15 : i32
    %while3A_17 = arith.muli %while3A_16, %while3A_15 : i32
    %while3A_18 = arith.addi %while3A_12, %while3A_17 : i32
    %while3A_19 = arith.constant 1 : i32
    scf.for %while3A_22 = %while3A_12 to %while3A_18 step %while3A_19  : i32 {
      %mul3A_23 = arith.muli %while3A_22, %while3A : i32
      %add3A_24 = arith.addi %while3A_11, %mul3A_23 : i32
      "tpu.region"() ({
        %run_scoped3A = tpu.sem_alloc : memref<!tpu.dma_semaphore, #tpu.memory_space<semaphore_mem>>
        %dma_start3A = arith.constant 0 : i32
        %dma_start3A_25 = tpu.memref_slice %arg7[%add3A_24, %dma_start3A] : memref<93x128xi32, #tpu.memory_space<vmem>> -> memref<1x128xi32, #tpu.memory_space<vmem>>
        %dma_start3A_26 = tpu.memref_squeeze %dma_start3A_25 : memref<1x128xi32, #tpu.memory_space<vmem>> -> memref<128xi32, #tpu.memory_space<vmem>>
        %dma_start3A_27 = arith.constant 0 : i32
        %dma_start3A_28 = arith.constant 0 : i32
        %dma_start3A_29 = tpu.memref_slice %arg4[%dma_start3A_27, %dma_start3A_28] : memref<10112x64xf32, #tpu.memory_space<hbm>> -> memref<10112x64xf32, #tpu.memory_space<hbm>>
        tpu.enqueue_indirect_dma source(%dma_start3A_29 : memref<10112x64xf32, #tpu.memory_space<hbm>>) target(%arg9 : memref<128x64xf32, #tpu.memory_space<vmem>>) offsets(%dma_start3A_26 : memref<128xi32, #tpu.memory_space<vmem>>) semaphore(%run_scoped3A : memref<!tpu.dma_semaphore, #tpu.memory_space<semaphore_mem>>)
        %dma_wait3A = arith.constant 0 : i32
        %dma_wait3A_30 = tpu.memref_slice %arg7[%add3A_24, %dma_wait3A] : memref<93x128xi32, #tpu.memory_space<vmem>> -> memref<1x128xi32, #tpu.memory_space<vmem>>
        %dma_wait3A_31 = tpu.memref_squeeze %dma_wait3A_30 : memref<1x128xi32, #tpu.memory_space<vmem>> -> memref<128xi32, #tpu.memory_space<vmem>>
        %dma_wait3A_32 = arith.constant 0 : i32
        %dma_wait3A_33 = arith.constant 0 : i32
        %dma_wait3A_34 = tpu.memref_slice %arg4[%dma_wait3A_32, %dma_wait3A_33] : memref<10112x64xf32, #tpu.memory_space<hbm>> -> memref<10112x64xf32, #tpu.memory_space<hbm>>
        tpu.wait_indirect_dma semaphore(%run_scoped3A : memref<!tpu.dma_semaphore, #tpu.memory_space<semaphore_mem>>) src(%dma_wait3A_34 : memref<10112x64xf32, #tpu.memory_space<hbm>>) dst(%arg9 : memref<128x64xf32, #tpu.memory_space<vmem>>)
        tpu.yield
      }) : () -> ()
      "tpu.region"() ({
        %run_scoped3A = tpu.sem_alloc : memref<!tpu.dma_semaphore, #tpu.memory_space<semaphore_mem>>
        %dma_start3A = arith.constant 0 : i32
        %dma_start3A_25 = tpu.memref_slice %arg8[%add3A_24, %dma_start3A] : memref<93x128xi32, #tpu.memory_space<vmem>> -> memref<1x128xi32, #tpu.memory_space<vmem>>
        %dma_start3A_26 = tpu.memref_squeeze %dma_start3A_25 : memref<1x128xi32, #tpu.memory_space<vmem>> -> memref<128xi32, #tpu.memory_space<vmem>>
        %dma_start3A_27 = arith.constant 0 : i32
        %dma_start3A_28 = arith.constant 0 : i32
        %dma_start3A_29 = tpu.memref_slice %arg10[%dma_start3A_27, %dma_start3A_28] : memref<10112x64xf32, #tpu.memory_space<vmem_shared>> -> memref<10112x64xf32, #tpu.memory_space<vmem_shared>>
        tpu.enqueue_indirect_dma source(%arg9 : memref<128x64xf32, #tpu.memory_space<vmem>>) target(%dma_start3A_29 : memref<10112x64xf32, #tpu.memory_space<vmem_shared>>) offsets(%dma_start3A_26 : memref<128xi32, #tpu.memory_space<vmem>>) semaphore(%run_scoped3A : memref<!tpu.dma_semaphore, #tpu.memory_space<semaphore_mem>>) {add = true}
        %dma_wait3A = arith.constant 0 : i32
        %dma_wait3A_30 = tpu.memref_slice %arg8[%add3A_24, %dma_wait3A] : memref<93x128xi32, #tpu.memory_space<vmem>> -> memref<1x128xi32, #tpu.memory_space<vmem>>
        %dma_wait3A_31 = tpu.memref_squeeze %dma_wait3A_30 : memref<1x128xi32, #tpu.memory_space<vmem>> -> memref<128xi32, #tpu.memory_space<vmem>>
        %dma_wait3A_32 = arith.constant 0 : i32
        %dma_wait3A_33 = arith.constant 0 : i32
        %dma_wait3A_34 = tpu.memref_slice %arg10[%dma_wait3A_32, %dma_wait3A_33] : memref<10112x64xf32, #tpu.memory_space<vmem_shared>> -> memref<10112x64xf32, #tpu.memory_space<vmem_shared>>
        tpu.wait_indirect_dma semaphore(%run_scoped3A : memref<!tpu.dma_semaphore, #tpu.memory_space<semaphore_mem>>) src(%arg9 : memref<128x64xf32, #tpu.memory_space<vmem>>) dst(%dma_wait3A_34 : memref<10112x64xf32, #tpu.memory_space<vmem_shared>>)
        tpu.yield
      }) : () -> ()
    }
    %while3A_20 = arith.constant 1 : i32
    scf.for %while3A_22 = %while3A_18 to %while3A_14 step %while3A_20  : i32 {
      %mul3A_23 = arith.muli %while3A_22, %while3A : i32
      %add3A_24 = arith.addi %while3A_11, %mul3A_23 : i32
      "tpu.region"() ({
        %run_scoped3A = tpu.sem_alloc : memref<!tpu.dma_semaphore, #tpu.memory_space<semaphore_mem>>
        %dma_start3A = arith.constant 0 : i32
        %dma_start3A_25 = tpu.memref_slice %arg7[%add3A_24, %dma_start3A] : memref<93x128xi32, #tpu.memory_space<vmem>> -> memref<1x128xi32, #tpu.memory_space<vmem>>
        %dma_start3A_26 = tpu.memref_squeeze %dma_start3A_25 : memref<1x128xi32, #tpu.memory_space<vmem>> -> memref<128xi32, #tpu.memory_space<vmem>>
        %dma_start3A_27 = arith.constant 0 : i32
        %dma_start3A_28 = arith.constant 0 : i32
        %dma_start3A_29 = tpu.memref_slice %arg4[%dma_start3A_27, %dma_start3A_28] : memref<10112x64xf32, #tpu.memory_space<hbm>> -> memref<10112x64xf32, #tpu.memory_space<hbm>>
        tpu.enqueue_indirect_dma source(%dma_start3A_29 : memref<10112x64xf32, #tpu.memory_space<hbm>>) target(%arg9 : memref<128x64xf32, #tpu.memory_space<vmem>>) offsets(%dma_start3A_26 : memref<128xi32, #tpu.memory_space<vmem>>) semaphore(%run_scoped3A : memref<!tpu.dma_semaphore, #tpu.memory_space<semaphore_mem>>)
        %dma_wait3A = arith.constant 0 : i32
        %dma_wait3A_30 = tpu.memref_slice %arg7[%add3A_24, %dma_wait3A] : memref<93x128xi32, #tpu.memory_space<vmem>> -> memref<1x128xi32, #tpu.memory_space<vmem>>
        %dma_wait3A_31 = tpu.memref_squeeze %dma_wait3A_30 : memref<1x128xi32, #tpu.memory_space<vmem>> -> memref<128xi32, #tpu.memory_space<vmem>>
        %dma_wait3A_32 = arith.constant 0 : i32
        %dma_wait3A_33 = arith.constant 0 : i32
        %dma_wait3A_34 = tpu.memref_slice %arg4[%dma_wait3A_32, %dma_wait3A_33] : memref<10112x64xf32, #tpu.memory_space<hbm>> -> memref<10112x64xf32, #tpu.memory_space<hbm>>
        tpu.wait_indirect_dma semaphore(%run_scoped3A : memref<!tpu.dma_semaphore, #tpu.memory_space<semaphore_mem>>) src(%dma_wait3A_34 : memref<10112x64xf32, #tpu.memory_space<hbm>>) dst(%arg9 : memref<128x64xf32, #tpu.memory_space<vmem>>)
        tpu.yield
      }) : () -> ()
      "tpu.region"() ({
        %run_scoped3A = tpu.sem_alloc : memref<!tpu.dma_semaphore, #tpu.memory_space<semaphore_mem>>
        %dma_start3A = arith.constant 0 : i32
        %dma_start3A_25 = tpu.memref_slice %arg8[%add3A_24, %dma_start3A] : memref<93x128xi32, #tpu.memory_space<vmem>> -> memref<1x128xi32, #tpu.memory_space<vmem>>
        %dma_start3A_26 = tpu.memref_squeeze %dma_start3A_25 : memref<1x128xi32, #tpu.memory_space<vmem>> -> memref<128xi32, #tpu.memory_space<vmem>>
        %dma_start3A_27 = arith.constant 0 : i32
        %dma_start3A_28 = arith.constant 0 : i32
        %dma_start3A_29 = tpu.memref_slice %arg10[%dma_start3A_27, %dma_start3A_28] : memref<10112x64xf32, #tpu.memory_space<vmem_shared>> -> memref<10112x64xf32, #tpu.memory_space<vmem_shared>>
        tpu.enqueue_indirect_dma source(%arg9 : memref<128x64xf32, #tpu.memory_space<vmem>>) target(%dma_start3A_29 : memref<10112x64xf32, #tpu.memory_space<vmem_shared>>) offsets(%dma_start3A_26 : memref<128xi32, #tpu.memory_space<vmem>>) semaphore(%run_scoped3A : memref<!tpu.dma_semaphore, #tpu.memory_space<semaphore_mem>>) {add = true}
        %dma_wait3A = arith.constant 0 : i32
        %dma_wait3A_30 = tpu.memref_slice %arg8[%add3A_24, %dma_wait3A] : memref<93x128xi32, #tpu.memory_space<vmem>> -> memref<1x128xi32, #tpu.memory_space<vmem>>
        %dma_wait3A_31 = tpu.memref_squeeze %dma_wait3A_30 : memref<1x128xi32, #tpu.memory_space<vmem>> -> memref<128xi32, #tpu.memory_space<vmem>>
        %dma_wait3A_32 = arith.constant 0 : i32
        %dma_wait3A_33 = arith.constant 0 : i32
        %dma_wait3A_34 = tpu.memref_slice %arg10[%dma_wait3A_32, %dma_wait3A_33] : memref<10112x64xf32, #tpu.memory_space<vmem_shared>> -> memref<10112x64xf32, #tpu.memory_space<vmem_shared>>
        tpu.wait_indirect_dma semaphore(%run_scoped3A : memref<!tpu.dma_semaphore, #tpu.memory_space<semaphore_mem>>) src(%arg9 : memref<128x64xf32, #tpu.memory_space<vmem>>) dst(%dma_wait3A_34 : memref<10112x64xf32, #tpu.memory_space<vmem_shared>>)
        tpu.yield
      }) : () -> ()
    }
    %barrier3A_21 = arith.constant 0 : index
    tpu.barrier barrier_id(%barrier3A_21)
    "tpu.region"() ({
      %run_scoped3A = tpu.sem_alloc : memref<!tpu.dma_semaphore, #tpu.memory_space<semaphore_mem>>
      %dma_start3A = arith.constant 0 : i32
      %dma_start3A_22 = tpu.memref_slice %arg6[%arg0, %mul3A_2, %dma_start3A] : memref<2x10112x64xf32, #tpu.memory_space<hbm>> -> memref<1x632x64xf32, #tpu.memory_space<hbm>>
      %dma_start3A_23 = tpu.memref_squeeze %dma_start3A_22 : memref<1x632x64xf32, #tpu.memory_space<hbm>> -> memref<632x64xf32, #tpu.memory_space<hbm>>
      %dma_start3A_24 = arith.constant 0 : i32
      %dma_start3A_25 = tpu.memref_slice %arg10[%mul3A_2, %dma_start3A_24] : memref<10112x64xf32, #tpu.memory_space<vmem_shared>> -> memref<632x64xf32, #tpu.memory_space<vmem_shared>>
      tpu.enqueue_dma source(%dma_start3A_25 : memref<632x64xf32, #tpu.memory_space<vmem_shared>>) target(%dma_start3A_23 : memref<632x64xf32, #tpu.memory_space<hbm>>) target_semaphore(%run_scoped3A : memref<!tpu.dma_semaphore, #tpu.memory_space<semaphore_mem>>)
      %dma_wait3A = arith.constant 0 : i32
      %dma_wait3A_26 = tpu.memref_slice %arg6[%arg0, %mul3A_2, %dma_wait3A] : memref<2x10112x64xf32, #tpu.memory_space<hbm>> -> memref<1x632x64xf32, #tpu.memory_space<hbm>>
      %dma_wait3A_27 = tpu.memref_squeeze %dma_wait3A_26 : memref<1x632x64xf32, #tpu.memory_space<hbm>> -> memref<632x64xf32, #tpu.memory_space<hbm>>
      %dma_wait3A_28 = arith.constant 0 : i32
      %dma_wait3A_29 = tpu.memref_slice %arg10[%mul3A_2, %dma_wait3A_28] : memref<10112x64xf32, #tpu.memory_space<vmem_shared>> -> memref<632x64xf32, #tpu.memory_space<vmem_shared>>
      tpu.wait_dma2 semaphore(%run_scoped3A : memref<!tpu.dma_semaphore, #tpu.memory_space<semaphore_mem>>) src(%dma_wait3A_29 : memref<632x64xf32, #tpu.memory_space<vmem_shared>>) dst(%dma_wait3A_27 : memref<632x64xf32, #tpu.memory_space<hbm>>)
      tpu.yield
    }) : () -> ()
    return
  }
}

#map = affine_map<(d0, d1) -> (0, 0, 0)>
#map1 = affine_map<(d0, d1) -> (0, 0)>
module attributes {stable_mosaic.version = 14 : i64} {
  func.func @spmm(%arg0: i32, %arg1: i32, %arg2: memref<32x93x128xi32, #tpu.memory_space<hbm>>, %arg3: memref<32x93x128xi32, #tpu.memory_space<hbm>>, %arg4: memref<10112x64xf32, #tpu.memory_space<hbm>>, %arg5: memref<10112x64xf32, #tpu.memory_space<hbm>>, %arg6: memref<2x10112x64xf32, #tpu.memory_space<hbm>>, %arg7: memref<93x128xi32, #tpu.memory_space<vmem>>, %arg8: memref<93x128xi32, #tpu.memory_space<vmem>>, %arg9: memref<128x64xf32, #tpu.memory_space<vmem>>, %arg10: memref<10112x64xf32, #tpu.memory_space<vmem_shared>>) attributes {dimension_semantics = [#tpu.dimension_semantics<core_parallel>, #tpu.dimension_semantics<subcore_parallel>], iteration_bounds = array<i64: 2, 16>, scalar_prefetch = 0 : i64, scratch_operands = 4 : i64, tpu.core_type = #tpu.core_type<sc_vector_subcore>, window_params = [{transform_indices = #map}, {transform_indices = #map}, {transform_indices = #map1}, {transform_indices = #map1}, {transform_indices = #map}]} {
    %mul3A = arith.constant 16 : i32
    %mul3A_0 = arith.muli %arg0, %mul3A : i32
    %add3A = arith.addi %mul3A_0, %arg1 : i32
    %mul3A_1 = arith.constant 632 : i32
    %mul3A_2 = arith.muli %arg1, %mul3A_1 : i32
    "tpu.region"() ({
      %run_scoped3A = tpu.sem_alloc : memref<!tpu.dma_semaphore, #tpu.memory_space<semaphore_mem>>
      %dma_start3A = arith.constant 0 : i32
      %dma_start3A_22 = tpu.memref_slice %arg10[%mul3A_2, %dma_start3A] : memref<10112x64xf32, #tpu.memory_space<vmem_shared>> -> memref<632x64xf32, #tpu.memory_space<vmem_shared>>
      %dma_start3A_23 = arith.constant 0 : i32
      %dma_start3A_24 = tpu.memref_slice %arg5[%mul3A_2, %dma_start3A_23] : memref<10112x64xf32, #tpu.memory_space<hbm>> -> memref<632x64xf32, #tpu.memory_space<hbm>>
      tpu.enqueue_dma source(%dma_start3A_24 : memref<632x64xf32, #tpu.memory_space<hbm>>) target(%dma_start3A_22 : memref<632x64xf32, #tpu.memory_space<vmem_shared>>) target_semaphore(%run_scoped3A : memref<!tpu.dma_semaphore, #tpu.memory_space<semaphore_mem>>)
      %dma_wait3A = arith.constant 0 : i32
      %dma_wait3A_25 = tpu.memref_slice %arg10[%mul3A_2, %dma_wait3A] : memref<10112x64xf32, #tpu.memory_space<vmem_shared>> -> memref<632x64xf32, #tpu.memory_space<vmem_shared>>
      %dma_wait3A_26 = arith.constant 0 : i32
      %dma_wait3A_27 = tpu.memref_slice %arg5[%mul3A_2, %dma_wait3A_26] : memref<10112x64xf32, #tpu.memory_space<hbm>> -> memref<632x64xf32, #tpu.memory_space<hbm>>
      tpu.wait_dma2 semaphore(%run_scoped3A : memref<!tpu.dma_semaphore, #tpu.memory_space<semaphore_mem>>) src(%dma_wait3A_27 : memref<632x64xf32, #tpu.memory_space<hbm>>) dst(%dma_wait3A_25 : memref<632x64xf32, #tpu.memory_space<vmem_shared>>)
      tpu.yield
    }) : () -> ()
    "tpu.region"() ({
      %run_scoped3A = tpu.sem_alloc : memref<!tpu.dma_semaphore, #tpu.memory_space<semaphore_mem>>
      %dma_start3A = arith.constant 0 : i32
      %dma_start3A_22 = arith.constant 0 : i32
      %dma_start3A_23 = tpu.memref_slice %arg2[%add3A, %dma_start3A, %dma_start3A_22] : memref<32x93x128xi32, #tpu.memory_space<hbm>> -> memref<1x93x128xi32, #tpu.memory_space<hbm>>
      %dma_start3A_24 = tpu.memref_squeeze %dma_start3A_23 : memref<1x93x128xi32, #tpu.memory_space<hbm>> -> memref<93x128xi32, #tpu.memory_space<hbm>>
      %dma_start3A_25 = arith.constant 0 : i32
      %dma_start3A_26 = arith.constant 0 : i32
      %dma_start3A_27 = tpu.memref_slice %arg2[%add3A, %dma_start3A_25, %dma_start3A_26] : memref<32x93x128xi32, #tpu.memory_space<hbm>> -> memref<1x93x128xi32, #tpu.memory_space<hbm>>
      %dma_start3A_28 = tpu.memref_squeeze %dma_start3A_27 : memref<1x93x128xi32, #tpu.memory_space<hbm>> -> memref<93x128xi32, #tpu.memory_space<hbm>>
      tpu.enqueue_dma source(%dma_start3A_28 : memref<93x128xi32, #tpu.memory_space<hbm>>) target(%arg7 : memref<93x128xi32, #tpu.memory_space<vmem>>) target_semaphore(%run_scoped3A : memref<!tpu.dma_semaphore, #tpu.memory_space<semaphore_mem>>)
      %dma_wait3A = arith.constant 0 : i32
      %dma_wait3A_29 = arith.constant 0 : i32
      %dma_wait3A_30 = tpu.memref_slice %arg2[%add3A, %dma_wait3A, %dma_wait3A_29] : memref<32x93x128xi32, #tpu.memory_space<hbm>> -> memref<1x93x128xi32, #tpu.memory_space<hbm>>
      %dma_wait3A_31 = tpu.memref_squeeze %dma_wait3A_30 : memref<1x93x128xi32, #tpu.memory_space<hbm>> -> memref<93x128xi32, #tpu.memory_space<hbm>>
      %dma_wait3A_32 = arith.constant 0 : i32
      %dma_wait3A_33 = arith.constant 0 : i32
      %dma_wait3A_34 = tpu.memref_slice %arg2[%add3A, %dma_wait3A_32, %dma_wait3A_33] : memref<32x93x128xi32, #tpu.memory_space<hbm>> -> memref<1x93x128xi32, #tpu.memory_space<hbm>>
      %dma_wait3A_35 = tpu.memref_squeeze %dma_wait3A_34 : memref<1x93x128xi32, #tpu.memory_space<hbm>> -> memref<93x128xi32, #tpu.memory_space<hbm>>
      tpu.wait_dma2 semaphore(%run_scoped3A : memref<!tpu.dma_semaphore, #tpu.memory_space<semaphore_mem>>) src(%dma_wait3A_35 : memref<93x128xi32, #tpu.memory_space<hbm>>) dst(%arg7 : memref<93x128xi32, #tpu.memory_space<vmem>>)
      tpu.yield
    }) : () -> ()
    "tpu.region"() ({
      %run_scoped3A = tpu.sem_alloc : memref<!tpu.dma_semaphore, #tpu.memory_space<semaphore_mem>>
      %dma_start3A = arith.constant 0 : i32
      %dma_start3A_22 = arith.constant 0 : i32
      %dma_start3A_23 = tpu.memref_slice %arg3[%add3A, %dma_start3A, %dma_start3A_22] : memref<32x93x128xi32, #tpu.memory_space<hbm>> -> memref<1x93x128xi32, #tpu.memory_space<hbm>>
      %dma_start3A_24 = tpu.memref_squeeze %dma_start3A_23 : memref<1x93x128xi32, #tpu.memory_space<hbm>> -> memref<93x128xi32, #tpu.memory_space<hbm>>
      %dma_start3A_25 = arith.constant 0 : i32
      %dma_start3A_26 = arith.constant 0 : i32
      %dma_start3A_27 = tpu.memref_slice %arg3[%add3A, %dma_start3A_25, %dma_start3A_26] : memref<32x93x128xi32, #tpu.memory_space<hbm>> -> memref<1x93x128xi32, #tpu.memory_space<hbm>>
      %dma_start3A_28 = tpu.memref_squeeze %dma_start3A_27 : memref<1x93x128xi32, #tpu.memory_space<hbm>> -> memref<93x128xi32, #tpu.memory_space<hbm>>
      tpu.enqueue_dma source(%dma_start3A_28 : memref<93x128xi32, #tpu.memory_space<hbm>>) target(%arg8 : memref<93x128xi32, #tpu.memory_space<vmem>>) target_semaphore(%run_scoped3A : memref<!tpu.dma_semaphore, #tpu.memory_space<semaphore_mem>>)
      %dma_wait3A = arith.constant 0 : i32
      %dma_wait3A_29 = arith.constant 0 : i32
      %dma_wait3A_30 = tpu.memref_slice %arg3[%add3A, %dma_wait3A, %dma_wait3A_29] : memref<32x93x128xi32, #tpu.memory_space<hbm>> -> memref<1x93x128xi32, #tpu.memory_space<hbm>>
      %dma_wait3A_31 = tpu.memref_squeeze %dma_wait3A_30 : memref<1x93x128xi32, #tpu.memory_space<hbm>> -> memref<93x128xi32, #tpu.memory_space<hbm>>
      %dma_wait3A_32 = arith.constant 0 : i32
      %dma_wait3A_33 = arith.constant 0 : i32
      %dma_wait3A_34 = tpu.memref_slice %arg3[%add3A, %dma_wait3A_32, %dma_wait3A_33] : memref<32x93x128xi32, #tpu.memory_space<hbm>> -> memref<1x93x128xi32, #tpu.memory_space<hbm>>
      %dma_wait3A_35 = tpu.memref_squeeze %dma_wait3A_34 : memref<1x93x128xi32, #tpu.memory_space<hbm>> -> memref<93x128xi32, #tpu.memory_space<hbm>>
      tpu.wait_dma2 semaphore(%run_scoped3A : memref<!tpu.dma_semaphore, #tpu.memory_space<semaphore_mem>>) src(%dma_wait3A_35 : memref<93x128xi32, #tpu.memory_space<hbm>>) dst(%arg8 : memref<93x128xi32, #tpu.memory_space<vmem>>)
      tpu.yield
    }) : () -> ()
    %barrier3A = arith.constant 0 : index
    tpu.barrier barrier_id(%barrier3A)
    %eq3A = arith.constant 0 : i32
    %eq3A_3 = arith.cmpi eq, %arg0, %eq3A : i32
    %jit3A = arith.constant 93 : i32
    %jit3A_4 = arith.constant 65 : i32
    %select_n3A = arith.select %eq3A_3, %jit3A, %jit3A_4 : i32
    %sub3A = arith.constant 0 : i32
    %sub3A_5 = arith.subi %select_n3A, %sub3A : i32
    %sub3A_6 = arith.constant 1 : i32
    %sub3A_7 = arith.constant 1 : i32
    %sub3A_8 = arith.subi %sub3A_6, %sub3A_7 : i32
    %add3A_9 = arith.addi %sub3A_5, %sub3A_8 : i32
    %div3A = arith.constant 1 : i32
    %div3A_10 = arith.divsi %add3A_9, %div3A : i32
    %while3A = arith.constant 1 : i32
    %while3A_11 = arith.constant 0 : i32
    %while3A_12 = arith.constant 0 : i32
    %while3A_13 = arith.subi %div3A_10, %while3A_12 : i32
    %while3A_14 = arith.addi %while3A_12, %while3A_13 : i32
    %while3A_15 = arith.constant 1 : i32
    %while3A_16 = arith.divsi %while3A_13, %while3A_15 : i32
    %while3A_17 = arith.muli %while3A_16, %while3A_15 : i32
    %while3A_18 = arith.addi %while3A_12, %while3A_17 : i32
    %while3A_19 = arith.constant 1 : i32
    scf.for %while3A_22 = %while3A_12 to %while3A_18 step %while3A_19  : i32 {
      %mul3A_23 = arith.muli %while3A_22, %while3A : i32
      %add3A_24 = arith.addi %while3A_11, %mul3A_23 : i32
      "tpu.region"() ({
        %run_scoped3A = tpu.sem_alloc : memref<!tpu.dma_semaphore, #tpu.memory_space<semaphore_mem>>
        %dma_start3A = arith.constant 0 : i32
        %dma_start3A_25 = tpu.memref_slice %arg7[%add3A_24, %dma_start3A] : memref<93x128xi32, #tpu.memory_space<vmem>> -> memref<1x128xi32, #tpu.memory_space<vmem>>
        %dma_start3A_26 = tpu.memref_squeeze %dma_start3A_25 : memref<1x128xi32, #tpu.memory_space<vmem>> -> memref<128xi32, #tpu.memory_space<vmem>>
        %dma_start3A_27 = arith.constant 0 : i32
        %dma_start3A_28 = arith.constant 0 : i32
        %dma_start3A_29 = tpu.memref_slice %arg4[%dma_start3A_27, %dma_start3A_28] : memref<10112x64xf32, #tpu.memory_space<hbm>> -> memref<10112x64xf32, #tpu.memory_space<hbm>>
        tpu.enqueue_indirect_dma source(%dma_start3A_29 : memref<10112x64xf32, #tpu.memory_space<hbm>>) target(%arg9 : memref<128x64xf32, #tpu.memory_space<vmem>>) offsets(%dma_start3A_26 : memref<128xi32, #tpu.memory_space<vmem>>) semaphore(%run_scoped3A : memref<!tpu.dma_semaphore, #tpu.memory_space<semaphore_mem>>)
        %dma_wait3A = arith.constant 0 : i32
        %dma_wait3A_30 = tpu.memref_slice %arg7[%add3A_24, %dma_wait3A] : memref<93x128xi32, #tpu.memory_space<vmem>> -> memref<1x128xi32, #tpu.memory_space<vmem>>
        %dma_wait3A_31 = tpu.memref_squeeze %dma_wait3A_30 : memref<1x128xi32, #tpu.memory_space<vmem>> -> memref<128xi32, #tpu.memory_space<vmem>>
        %dma_wait3A_32 = arith.constant 0 : i32
        %dma_wait3A_33 = arith.constant 0 : i32
        %dma_wait3A_34 = tpu.memref_slice %arg4[%dma_wait3A_32, %dma_wait3A_33] : memref<10112x64xf32, #tpu.memory_space<hbm>> -> memref<10112x64xf32, #tpu.memory_space<hbm>>
        tpu.wait_indirect_dma semaphore(%run_scoped3A : memref<!tpu.dma_semaphore, #tpu.memory_space<semaphore_mem>>) src(%dma_wait3A_34 : memref<10112x64xf32, #tpu.memory_space<hbm>>) dst(%arg9 : memref<128x64xf32, #tpu.memory_space<vmem>>)
        tpu.yield
      }) : () -> ()
      "tpu.region"() ({
        %run_scoped3A = tpu.sem_alloc : memref<!tpu.dma_semaphore, #tpu.memory_space<semaphore_mem>>
        %dma_start3A = arith.constant 0 : i32
        %dma_start3A_25 = tpu.memref_slice %arg8[%add3A_24, %dma_start3A] : memref<93x128xi32, #tpu.memory_space<vmem>> -> memref<1x128xi32, #tpu.memory_space<vmem>>
        %dma_start3A_26 = tpu.memref_squeeze %dma_start3A_25 : memref<1x128xi32, #tpu.memory_space<vmem>> -> memref<128xi32, #tpu.memory_space<vmem>>
        %dma_start3A_27 = arith.constant 0 : i32
        %dma_start3A_28 = arith.constant 0 : i32
        %dma_start3A_29 = tpu.memref_slice %arg10[%dma_start3A_27, %dma_start3A_28] : memref<10112x64xf32, #tpu.memory_space<vmem_shared>> -> memref<10112x64xf32, #tpu.memory_space<vmem_shared>>
        tpu.enqueue_indirect_dma source(%arg9 : memref<128x64xf32, #tpu.memory_space<vmem>>) target(%dma_start3A_29 : memref<10112x64xf32, #tpu.memory_space<vmem_shared>>) offsets(%dma_start3A_26 : memref<128xi32, #tpu.memory_space<vmem>>) semaphore(%run_scoped3A : memref<!tpu.dma_semaphore, #tpu.memory_space<semaphore_mem>>) {add = true}
        %dma_wait3A = arith.constant 0 : i32
        %dma_wait3A_30 = tpu.memref_slice %arg8[%add3A_24, %dma_wait3A] : memref<93x128xi32, #tpu.memory_space<vmem>> -> memref<1x128xi32, #tpu.memory_space<vmem>>
        %dma_wait3A_31 = tpu.memref_squeeze %dma_wait3A_30 : memref<1x128xi32, #tpu.memory_space<vmem>> -> memref<128xi32, #tpu.memory_space<vmem>>
        %dma_wait3A_32 = arith.constant 0 : i32
        %dma_wait3A_33 = arith.constant 0 : i32
        %dma_wait3A_34 = tpu.memref_slice %arg10[%dma_wait3A_32, %dma_wait3A_33] : memref<10112x64xf32, #tpu.memory_space<vmem_shared>> -> memref<10112x64xf32, #tpu.memory_space<vmem_shared>>
        tpu.wait_indirect_dma semaphore(%run_scoped3A : memref<!tpu.dma_semaphore, #tpu.memory_space<semaphore_mem>>) src(%arg9 : memref<128x64xf32, #tpu.memory_space<vmem>>) dst(%dma_wait3A_34 : memref<10112x64xf32, #tpu.memory_space<vmem_shared>>)
        tpu.yield
      }) : () -> ()
    }
    %while3A_20 = arith.constant 1 : i32
    scf.for %while3A_22 = %while3A_18 to %while3A_14 step %while3A_20  : i32 {
      %mul3A_23 = arith.muli %while3A_22, %while3A : i32
      %add3A_24 = arith.addi %while3A_11, %mul3A_23 : i32
      "tpu.region"() ({
        %run_scoped3A = tpu.sem_alloc : memref<!tpu.dma_semaphore, #tpu.memory_space<semaphore_mem>>
        %dma_start3A = arith.constant 0 : i32
        %dma_start3A_25 = tpu.memref_slice %arg7[%add3A_24, %dma_start3A] : memref<93x128xi32, #tpu.memory_space<vmem>> -> memref<1x128xi32, #tpu.memory_space<vmem>>
        %dma_start3A_26 = tpu.memref_squeeze %dma_start3A_25 : memref<1x128xi32, #tpu.memory_space<vmem>> -> memref<128xi32, #tpu.memory_space<vmem>>
        %dma_start3A_27 = arith.constant 0 : i32
        %dma_start3A_28 = arith.constant 0 : i32
        %dma_start3A_29 = tpu.memref_slice %arg4[%dma_start3A_27, %dma_start3A_28] : memref<10112x64xf32, #tpu.memory_space<hbm>> -> memref<10112x64xf32, #tpu.memory_space<hbm>>
        tpu.enqueue_indirect_dma source(%dma_start3A_29 : memref<10112x64xf32, #tpu.memory_space<hbm>>) target(%arg9 : memref<128x64xf32, #tpu.memory_space<vmem>>) offsets(%dma_start3A_26 : memref<128xi32, #tpu.memory_space<vmem>>) semaphore(%run_scoped3A : memref<!tpu.dma_semaphore, #tpu.memory_space<semaphore_mem>>)
        %dma_wait3A = arith.constant 0 : i32
        %dma_wait3A_30 = tpu.memref_slice %arg7[%add3A_24, %dma_wait3A] : memref<93x128xi32, #tpu.memory_space<vmem>> -> memref<1x128xi32, #tpu.memory_space<vmem>>
        %dma_wait3A_31 = tpu.memref_squeeze %dma_wait3A_30 : memref<1x128xi32, #tpu.memory_space<vmem>> -> memref<128xi32, #tpu.memory_space<vmem>>
        %dma_wait3A_32 = arith.constant 0 : i32
        %dma_wait3A_33 = arith.constant 0 : i32
        %dma_wait3A_34 = tpu.memref_slice %arg4[%dma_wait3A_32, %dma_wait3A_33] : memref<10112x64xf32, #tpu.memory_space<hbm>> -> memref<10112x64xf32, #tpu.memory_space<hbm>>
        tpu.wait_indirect_dma semaphore(%run_scoped3A : memref<!tpu.dma_semaphore, #tpu.memory_space<semaphore_mem>>) src(%dma_wait3A_34 : memref<10112x64xf32, #tpu.memory_space<hbm>>) dst(%arg9 : memref<128x64xf32, #tpu.memory_space<vmem>>)
        tpu.yield
      }) : () -> ()
      "tpu.region"() ({
        %run_scoped3A = tpu.sem_alloc : memref<!tpu.dma_semaphore, #tpu.memory_space<semaphore_mem>>
        %dma_start3A = arith.constant 0 : i32
        %dma_start3A_25 = tpu.memref_slice %arg8[%add3A_24, %dma_start3A] : memref<93x128xi32, #tpu.memory_space<vmem>> -> memref<1x128xi32, #tpu.memory_space<vmem>>
        %dma_start3A_26 = tpu.memref_squeeze %dma_start3A_25 : memref<1x128xi32, #tpu.memory_space<vmem>> -> memref<128xi32, #tpu.memory_space<vmem>>
        %dma_start3A_27 = arith.constant 0 : i32
        %dma_start3A_28 = arith.constant 0 : i32
        %dma_start3A_29 = tpu.memref_slice %arg10[%dma_start3A_27, %dma_start3A_28] : memref<10112x64xf32, #tpu.memory_space<vmem_shared>> -> memref<10112x64xf32, #tpu.memory_space<vmem_shared>>
        tpu.enqueue_indirect_dma source(%arg9 : memref<128x64xf32, #tpu.memory_space<vmem>>) target(%dma_start3A_29 : memref<10112x64xf32, #tpu.memory_space<vmem_shared>>) offsets(%dma_start3A_26 : memref<128xi32, #tpu.memory_space<vmem>>) semaphore(%run_scoped3A : memref<!tpu.dma_semaphore, #tpu.memory_space<semaphore_mem>>) {add = true}
        %dma_wait3A = arith.constant 0 : i32
        %dma_wait3A_30 = tpu.memref_slice %arg8[%add3A_24, %dma_wait3A] : memref<93x128xi32, #tpu.memory_space<vmem>> -> memref<1x128xi32, #tpu.memory_space<vmem>>
        %dma_wait3A_31 = tpu.memref_squeeze %dma_wait3A_30 : memref<1x128xi32, #tpu.memory_space<vmem>> -> memref<128xi32, #tpu.memory_space<vmem>>
        %dma_wait3A_32 = arith.constant 0 : i32
        %dma_wait3A_33 = arith.constant 0 : i32
        %dma_wait3A_34 = tpu.memref_slice %arg10[%dma_wait3A_32, %dma_wait3A_33] : memref<10112x64xf32, #tpu.memory_space<vmem_shared>> -> memref<10112x64xf32, #tpu.memory_space<vmem_shared>>
        tpu.wait_indirect_dma semaphore(%run_scoped3A : memref<!tpu.dma_semaphore, #tpu.memory_space<semaphore_mem>>) src(%arg9 : memref<128x64xf32, #tpu.memory_space<vmem>>) dst(%dma_wait3A_34 : memref<10112x64xf32, #tpu.memory_space<vmem_shared>>)
        tpu.yield
      }) : () -> ()
    }
    %barrier3A_21 = arith.constant 0 : index
    tpu.barrier barrier_id(%barrier3A_21)
    "tpu.region"() ({
      %run_scoped3A = tpu.sem_alloc : memref<!tpu.dma_semaphore, #tpu.memory_space<semaphore_mem>>
      %dma_start3A = arith.constant 0 : i32
      %dma_start3A_22 = tpu.memref_slice %arg6[%arg0, %mul3A_2, %dma_start3A] : memref<2x10112x64xf32, #tpu.memory_space<hbm>> -> memref<1x632x64xf32, #tpu.memory_space<hbm>>
      %dma_start3A_23 = tpu.memref_squeeze %dma_start3A_22 : memref<1x632x64xf32, #tpu.memory_space<hbm>> -> memref<632x64xf32, #tpu.memory_space<hbm>>
      %dma_start3A_24 = arith.constant 0 : i32
      %dma_start3A_25 = tpu.memref_slice %arg10[%mul3A_2, %dma_start3A_24] : memref<10112x64xf32, #tpu.memory_space<vmem_shared>> -> memref<632x64xf32, #tpu.memory_space<vmem_shared>>
      tpu.enqueue_dma source(%dma_start3A_25 : memref<632x64xf32, #tpu.memory_space<vmem_shared>>) target(%dma_start3A_23 : memref<632x64xf32, #tpu.memory_space<hbm>>) target_semaphore(%run_scoped3A : memref<!tpu.dma_semaphore, #tpu.memory_space<semaphore_mem>>)
      %dma_wait3A = arith.constant 0 : i32
      %dma_wait3A_26 = tpu.memref_slice %arg6[%arg0, %mul3A_2, %dma_wait3A] : memref<2x10112x64xf32, #tpu.memory_space<hbm>> -> memref<1x632x64xf32, #tpu.memory_space<hbm>>
      %dma_wait3A_27 = tpu.memref_squeeze %dma_wait3A_26 : memref<1x632x64xf32, #tpu.memory_space<hbm>> -> memref<632x64xf32, #tpu.memory_space<hbm>>
      %dma_wait3A_28 = arith.constant 0 : i32
      %dma_wait3A_29 = tpu.memref_slice %arg10[%mul3A_2, %dma_wait3A_28] : memref<10112x64xf32, #tpu.memory_space<vmem_shared>> -> memref<632x64xf32, #tpu.memory_space<vmem_shared>>
      tpu.wait_dma2 semaphore(%run_scoped3A : memref<!tpu.dma_semaphore, #tpu.memory_space<semaphore_mem>>) src(%dma_wait3A_29 : memref<632x64xf32, #tpu.memory_space<vmem_shared>>) dst(%dma_wait3A_27 : memref<632x64xf32, #tpu.memory_space<hbm>>)
      tpu.yield
    }) : () -> ()
    return
  }
}

module attributes {stable_mosaic.version = 14 : i64} {
  func.func @_mm_body(%arg0: i32, %arg1: memref<2000x128xf32, #tpu.memory_space<vmem>>, %arg2: memref<128x64xf32, #tpu.memory_space<vmem>>, %arg3: memref<2000x64xf32, #tpu.memory_space<vmem>>) attributes {dimension_semantics = [#tpu.dimension_semantics<arbitrary>], iteration_bounds = array<i64: 5>, scalar_prefetch = 0 : i64, scratch_operands = 0 : i64, tpu.core_type = #tpu.core_type<tc>, window_params = [{transform_indices = @transform_0, window_bounds = array<i64: 2000, 128>}, {pipeline_mode = #tpu.pipeline_mode<synchronous>, transform_indices = @transform_1, window_bounds = array<i64: 128, 64>}, {transform_indices = @transform_2, window_bounds = array<i64: 2000, 64>}]} {
    %get3A = arith.constant 0 : index
    %get3A_0 = arith.constant 0 : index
    %get3A_1 = vector.load %arg1[%get3A, %get3A_0] : memref<2000x128xf32, #tpu.memory_space<vmem>>, vector<2000x128xf32>
    %get3A_2 = arith.constant 0 : index
    %get3A_3 = arith.constant 0 : index
    %get3A_4 = vector.load %arg2[%get3A_2, %get3A_3] : memref<128x64xf32, #tpu.memory_space<vmem>>, vector<128x64xf32>
    %dot_general3A = arith.constant dense<0.000000e+00> : vector<2000x64xf32>
    %dot_general3A_5 = tpu.matmul %get3A_1, %get3A_4, %dot_general3A {dimension_numbers = #tpu.dot_dimension_numbers<[1], [0], [0], [1], [0, 0, 1, 1], [], []>, transpose_lhs_hint = false} : vector<2000x128xf32>, vector<128x64xf32>, vector<2000x64xf32> -> vector<2000x64xf32>
    %swap3A = arith.constant 0 : index
    %swap3A_6 = arith.constant 0 : index
    %swap3A_7 = vector.load %arg3[%swap3A, %swap3A_6] : memref<2000x64xf32, #tpu.memory_space<vmem>>, vector<2000x64xf32>
    tpu.vector_store %arg3[%swap3A, %swap3A_6], %dot_general3A_5 {strides = array<i32>} : memref<2000x64xf32, #tpu.memory_space<vmem>>, vector<2000x64xf32>,
    return
  }
  func.func @transform_0(%arg0: i32) -> (i32, i32) {
    %c0_i32 = arith.constant 0 : i32
    %c0_i32_0 = arith.constant 0 : i32
    return %arg0, %c0_i32 : i32, i32
  }
  func.func @transform_1(%arg0: i32) -> (i32, i32) {
    %c0_i32 = arith.constant 0 : i32
    %c0_i32_0 = arith.constant 0 : i32
    %c0_i32_1 = arith.constant 0 : i32
    return %c0_i32, %c0_i32_0 : i32, i32
  }
  func.func @transform_2(%arg0: i32) -> (i32, i32) {
    %c0_i32 = arith.constant 0 : i32
    %c0_i32_0 = arith.constant 0 : i32
    return %arg0, %c0_i32 : i32, i32
  }
}

module attributes {stable_mosaic.version = 14 : i64} {
  func.func @_mid_body(%arg0: i32, %arg1: memref<2x632x64xf32, #tpu.memory_space<vmem>>, %arg2: memref<64x64xf32, #tpu.memory_space<vmem>>, %arg3: memref<632x64xf32, #tpu.memory_space<vmem>>) attributes {dimension_semantics = [#tpu.dimension_semantics<arbitrary>], iteration_bounds = array<i64: 16>, scalar_prefetch = 0 : i64, scratch_operands = 0 : i64, tpu.core_type = #tpu.core_type<tc>, window_params = [{transform_indices = @transform_0, window_bounds = array<i64: 2, 632, 64>}, {pipeline_mode = #tpu.pipeline_mode<synchronous>, transform_indices = @transform_1, window_bounds = array<i64: 64, 64>}, {transform_indices = @transform_2, window_bounds = array<i64: 632, 64>}]} {
    %get3A = arith.constant 0 : index
    %get3A_0 = arith.constant 0 : index
    %get3A_1 = arith.constant 0 : index
    %get3A_2 = vector.load %arg1[%get3A, %get3A_0, %get3A_1] : memref<2x632x64xf32, #tpu.memory_space<vmem>>, vector<1x632x64xf32>
    %get3A_3 = vector.shape_cast %get3A_2 : vector<1x632x64xf32> to vector<632x64xf32>
    %get3A_4 = arith.constant 1 : index
    %get3A_5 = arith.constant 0 : index
    %get3A_6 = arith.constant 0 : index
    %get3A_7 = vector.load %arg1[%get3A_4, %get3A_5, %get3A_6] : memref<2x632x64xf32, #tpu.memory_space<vmem>>, vector<1x632x64xf32>
    %get3A_8 = vector.shape_cast %get3A_7 : vector<1x632x64xf32> to vector<632x64xf32>
    %add3A = arith.addf %get3A_3, %get3A_8 : vector<632x64xf32>
    %max3A = arith.constant 0.000000e+00 : f32
    %max3A_9 = vector.broadcast %max3A : f32 to vector<632x64xf32>
    %max3A_10 = arith.maximumf %add3A, %max3A_9 : vector<632x64xf32>
    %get3A_11 = arith.constant 0 : index
    %get3A_12 = arith.constant 0 : index
    %get3A_13 = vector.load %arg2[%get3A_11, %get3A_12] : memref<64x64xf32, #tpu.memory_space<vmem>>, vector<64x64xf32>
    %dot_general3A = arith.constant dense<0.000000e+00> : vector<632x64xf32>
    %dot_general3A_14 = tpu.matmul %max3A_10, %get3A_13, %dot_general3A {dimension_numbers = #tpu.dot_dimension_numbers<[1], [0], [0], [1], [0, 0, 1, 1], [], []>, transpose_lhs_hint = false} : vector<632x64xf32>, vector<64x64xf32>, vector<632x64xf32> -> vector<632x64xf32>
    %swap3A = arith.constant 0 : index
    %swap3A_15 = arith.constant 0 : index
    %swap3A_16 = vector.load %arg3[%swap3A, %swap3A_15] : memref<632x64xf32, #tpu.memory_space<vmem>>, vector<632x64xf32>
    tpu.vector_store %arg3[%swap3A, %swap3A_15], %dot_general3A_14 {strides = array<i32>} : memref<632x64xf32, #tpu.memory_space<vmem>>, vector<632x64xf32>,
    return
  }
  func.func @transform_0(%arg0: i32) -> (i32, i32, i32) {
    %c0_i32 = arith.constant 0 : i32
    %c0_i32_0 = arith.constant 0 : i32
    %c0_i32_1 = arith.constant 0 : i32
    return %c0_i32, %arg0, %c0_i32_0 : i32, i32, i32
  }
  func.func @transform_1(%arg0: i32) -> (i32, i32) {
    %c0_i32 = arith.constant 0 : i32
    %c0_i32_0 = arith.constant 0 : i32
    %c0_i32_1 = arith.constant 0 : i32
    return %c0_i32, %c0_i32_0 : i32, i32
  }
  func.func @transform_2(%arg0: i32) -> (i32, i32) {
    %c0_i32 = arith.constant 0 : i32
    %c0_i32_0 = arith.constant 0 : i32
    return %arg0, %c0_i32 : i32, i32
  }
}

module attributes {stable_mosaic.version = 14 : i64} {
  func.func @_reparam_body(%arg0: i32, %arg1: memref<2x632x64xf32, #tpu.memory_space<vmem>>, %arg2: memref<632x32xf32, #tpu.memory_space<vmem>>, %arg3: memref<632x32xf32, #tpu.memory_space<vmem>>, %arg4: memref<632x32xf32, #tpu.memory_space<vmem>>, %arg5: memref<632x32xf32, #tpu.memory_space<vmem>>) attributes {dimension_semantics = [#tpu.dimension_semantics<arbitrary>], iteration_bounds = array<i64: 16>, scalar_prefetch = 0 : i64, scratch_operands = 0 : i64, tpu.core_type = #tpu.core_type<tc>, window_params = [{transform_indices = @transform_0, window_bounds = array<i64: 2, 632, 64>}, {transform_indices = @transform_1, window_bounds = array<i64: 632, 32>}, {transform_indices = @transform_2, window_bounds = array<i64: 632, 32>}, {transform_indices = @transform_3, window_bounds = array<i64: 632, 32>}, {transform_indices = @transform_4, window_bounds = array<i64: 632, 32>}]} {
    %get3A = arith.constant 0 : index
    %get3A_0 = arith.constant 0 : index
    %get3A_1 = arith.constant 0 : index
    %get3A_2 = vector.load %arg1[%get3A, %get3A_0, %get3A_1] : memref<2x632x64xf32, #tpu.memory_space<vmem>>, vector<1x632x32xf32>
    %get3A_3 = vector.shape_cast %get3A_2 : vector<1x632x32xf32> to vector<632x32xf32>
    %get3A_4 = arith.constant 1 : index
    %get3A_5 = arith.constant 0 : index
    %get3A_6 = arith.constant 0 : index
    %get3A_7 = vector.load %arg1[%get3A_4, %get3A_5, %get3A_6] : memref<2x632x64xf32, #tpu.memory_space<vmem>>, vector<1x632x32xf32>
    %get3A_8 = vector.shape_cast %get3A_7 : vector<1x632x32xf32> to vector<632x32xf32>
    %add3A = arith.addf %get3A_3, %get3A_8 : vector<632x32xf32>
    %get3A_9 = arith.constant 0 : index
    %get3A_10 = arith.constant 0 : index
    %get3A_11 = arith.constant 32 : index
    %get3A_12 = vector.load %arg1[%get3A_9, %get3A_10, %get3A_11] : memref<2x632x64xf32, #tpu.memory_space<vmem>>, vector<1x632x32xf32>
    %get3A_13 = vector.shape_cast %get3A_12 : vector<1x632x32xf32> to vector<632x32xf32>
    %get3A_14 = arith.constant 1 : index
    %get3A_15 = arith.constant 0 : index
    %get3A_16 = arith.constant 32 : index
    %get3A_17 = vector.load %arg1[%get3A_14, %get3A_15, %get3A_16] : memref<2x632x64xf32, #tpu.memory_space<vmem>>, vector<1x632x32xf32>
    %get3A_18 = vector.shape_cast %get3A_17 : vector<1x632x32xf32> to vector<632x32xf32>
    %add3A_19 = arith.addf %get3A_13, %get3A_18 : vector<632x32xf32>
    %swap3A = arith.constant 0 : index
    %swap3A_20 = arith.constant 0 : index
    %swap3A_21 = vector.load %arg4[%swap3A, %swap3A_20] : memref<632x32xf32, #tpu.memory_space<vmem>>, vector<632x32xf32>
    tpu.vector_store %arg4[%swap3A, %swap3A_20], %add3A {strides = array<i32>} : memref<632x32xf32, #tpu.memory_space<vmem>>, vector<632x32xf32>,
    %swap3A_22 = arith.constant 0 : index
    %swap3A_23 = arith.constant 0 : index
    %swap3A_24 = vector.load %arg5[%swap3A_22, %swap3A_23] : memref<632x32xf32, #tpu.memory_space<vmem>>, vector<632x32xf32>
    tpu.vector_store %arg5[%swap3A_22, %swap3A_23], %add3A_19 {strides = array<i32>} : memref<632x32xf32, #tpu.memory_space<vmem>>, vector<632x32xf32>,
    %get3A_25 = arith.constant 0 : index
    %get3A_26 = arith.constant 0 : index
    %get3A_27 = vector.load %arg2[%get3A_25, %get3A_26] : memref<632x32xf32, #tpu.memory_space<vmem>>, vector<632x32xf32>
    %exp3A = math.exp %add3A_19 : vector<632x32xf32>
    %mul3A = arith.mulf %get3A_27, %exp3A : vector<632x32xf32>
    %add3A_28 = arith.addf %mul3A, %add3A : vector<632x32xf32>
    %swap3A_29 = arith.constant 0 : index
    %swap3A_30 = arith.constant 0 : index
    %swap3A_31 = vector.load %arg3[%swap3A_29, %swap3A_30] : memref<632x32xf32, #tpu.memory_space<vmem>>, vector<632x32xf32>
    tpu.vector_store %arg3[%swap3A_29, %swap3A_30], %add3A_28 {strides = array<i32>} : memref<632x32xf32, #tpu.memory_space<vmem>>, vector<632x32xf32>,
    return
  }
  func.func @transform_0(%arg0: i32) -> (i32, i32, i32) {
    %c0_i32 = arith.constant 0 : i32
    %c0_i32_0 = arith.constant 0 : i32
    %c0_i32_1 = arith.constant 0 : i32
    return %c0_i32, %arg0, %c0_i32_0 : i32, i32, i32
  }
  func.func @transform_1(%arg0: i32) -> (i32, i32) {
    %c0_i32 = arith.constant 0 : i32
    %c0_i32_0 = arith.constant 0 : i32
    return %arg0, %c0_i32 : i32, i32
  }
  func.func @transform_2(%arg0: i32) -> (i32, i32) {
    %c0_i32 = arith.constant 0 : i32
    %c0_i32_0 = arith.constant 0 : i32
    return %arg0, %c0_i32 : i32, i32
  }
  func.func @transform_3(%arg0: i32) -> (i32, i32) {
    %c0_i32 = arith.constant 0 : i32
    %c0_i32_0 = arith.constant 0 : i32
    return %arg0, %c0_i32 : i32, i32
  }
  func.func @transform_4(%arg0: i32) -> (i32, i32) {
    %c0_i32 = arith.constant 0 : i32
    %c0_i32_0 = arith.constant 0 : i32
    return %arg0, %c0_i32 : i32, i32
  }
}

module attributes {stable_mosaic.version = 14 : i64} {
  func.func @_outer_body(%arg0: i32, %arg1: memref<400x32xf32, #tpu.memory_space<vmem>>, %arg2: memref<10000x32xf32, #tpu.memory_space<vmem>>, %arg3: memref<400x10000xf32, #tpu.memory_space<vmem>>) attributes {dimension_semantics = [#tpu.dimension_semantics<arbitrary>], iteration_bounds = array<i64: 25>, scalar_prefetch = 0 : i64, scratch_operands = 0 : i64, tpu.core_type = #tpu.core_type<tc>, window_params = [{transform_indices = @transform_0, window_bounds = array<i64: 400, 32>}, {transform_indices = @transform_1, window_bounds = array<i64: 10000, 32>}, {transform_indices = @transform_2, window_bounds = array<i64: 400, 10000>}]} {
    %get3A = arith.constant 0 : index
    %get3A_0 = arith.constant 0 : index
    %get3A_1 = vector.load %arg1[%get3A, %get3A_0] : memref<400x32xf32, #tpu.memory_space<vmem>>, vector<400x32xf32>
    %get3A_2 = arith.constant 0 : index
    %get3A_3 = arith.constant 0 : index
    %get3A_4 = vector.load %arg2[%get3A_2, %get3A_3] : memref<10000x32xf32, #tpu.memory_space<vmem>>, vector<10000x32xf32>
    %dot_general3A = arith.constant dense<0.000000e+00> : vector<400x10000xf32>
    %dot_general3A_5 = tpu.matmul %get3A_1, %get3A_4, %dot_general3A {dimension_numbers = #tpu.dot_dimension_numbers<[1], [1], [0], [0], [0, 0, 1, 0], [], []>, transpose_lhs_hint = false} : vector<400x32xf32>, vector<10000x32xf32>, vector<400x10000xf32> -> vector<400x10000xf32>
    %swap3A = arith.constant 0 : index
    %swap3A_6 = arith.constant 0 : index
    %swap3A_7 = vector.load %arg3[%swap3A, %swap3A_6] : memref<400x10000xf32, #tpu.memory_space<vmem>>, vector<400x10000xf32>
    tpu.vector_store %arg3[%swap3A, %swap3A_6], %dot_general3A_5 {strides = array<i32>} : memref<400x10000xf32, #tpu.memory_space<vmem>>, vector<400x10000xf32>,
    return
  }
  func.func @transform_0(%arg0: i32) -> (i32, i32) {
    %c0_i32 = arith.constant 0 : i32
    %c0_i32_0 = arith.constant 0 : i32
    return %arg0, %c0_i32 : i32, i32
  }
  func.func @transform_1(%arg0: i32) -> (i32, i32) {
    %c0_i32 = arith.constant 0 : i32
    %c0_i32_0 = arith.constant 0 : i32
    %c0_i32_1 = arith.constant 0 : i32
    return %c0_i32, %c0_i32_0 : i32, i32
  }
  func.func @transform_2(%arg0: i32) -> (i32, i32) {
    %c0_i32 = arith.constant 0 : i32
    %c0_i32_0 = arith.constant 0 : i32
    return %arg0, %c0_i32 : i32, i32
  }
}

</mosaic_0001>

<sc_bundles>
// kernel: kernel.11.cloned.1.call-start
scs
__scs_entry_jumppad:
0x0: {  	(pc) =	sbr.rel $0x88, $3  }
0x1: {  	(tag) =	ssettag $0x0;
	lr =	simm.s32 $0x1  }
0x2: {  	[smem:$0x3F9C] =	sst lr;
	_ =	strace $0xD0000000  }
0x3: {  	_ = 	snop  }
0x4: {  	_ = 	snop  }
0x5: {  	_ = 	snop  }
0x6: {  	_ = 	snop  }
0x7: {  	_ = 	snop  }
__scs_overlays_trampoline_lowered:
0x8: {  	[smem:$0x3FAB] =	sst s0  }
0x9: {  	[smem:$0x3FAC] =	sst s1  }
0xa: {  	[smem:$0x3FAD] =	sst s2  }
0xb: {  	[smem:$0x3FAE] =	sst s3  }
0xc: {  	[smem:$0x3FAF] =	sst s4  }
0xd: {  	[smem:$0x3FB0] =	sst s5  }
0xe: {  	[smem:$0x3FB1] =	sst s6  }
0xf: {  	[smem:$0x3FB2] =	sst s7  }
0x10: {  	[smem:$0x3FB3] =	sst s8  }
0x11: {  	[smem:$0x3FB4] =	sst s9;
	s0 =	simm.s32 @!p0 $0x0  }
0x12: {  	s1 =	sld [smem:$0x3F9A];
	s0 =	simm.s32 @p0 $0x1  }
0x13: {  	[smem:$0x3FB5] =	sst s0;
	s0 =	simm.s32 @!p1 $0x0  }
0x14: {  	s2 =	sld [smem:$0x3F99];
	s0 =	simm.s32 @p1 $0x1  }
0x15: {  	[smem:$0x3FB6] =	sst s0;
	s0 =	simm.s32 @!p2 $0x0  }
0x16: {  	s3 =	sld [smem:$0x3FDB];
	s0 =	simm.s32 @p2 $0x1  }
0x17: {  	s4 =	simm.s32 $0x1BF5;
	[smem:$0x3FB8] =	sst s0  }
0x18: {  	s0 =	sld [smem:$0x3F9B];
	_ =	swait.ge [sflag:s4], $0x0  }
0x19: {  	s7 =	sld [smem:$0x3F9C]  }
0x1a: {  	s8 =	sadd.s32 $0xFFFFE003, lr  }
0x1b: {  	s9 =	sadd.s32 $0xFFFFFEF7, lr;
	s5 =	simm.s32 $0xFFFFFFFF;
	p2 =	slt.u32 s8, $0xFFFFF086  }
0x1c: {  	p1 =	slt.u32 s9, $0xF7A;
	s5 =	simm.s32 @!p2 $0x0  }
0x1d: {  	s5 =	simm.s32 @p1 $0x1;
	p0 =	seq.s32 s7, s2  }
0x1e: {  	s7 =	smul.u32 @!p0 $0xF7A, s2;
	p2 =	seq.s32 @!p0 s5, $0x0  }
0x1f: {  	s9 =	smul.u32 $0xF7A, s1;
	s8 =	simm.s32 @!p0 $0x1BF5;
	p2 =	por !p2, p0  }
0x20: {  	[sflag:s8] =	ssyncset.s32 @!p0 $0xFFFFF086;
	s6 =	sadd.s32 @!p0 s3, s7;
	s7 =	simm.s32 @!p0 $0x108  }
0x21: {  	s3 =	sadd.s32 s3, s9;
	s6 =	sadd.s32 @!p0 $0x88, s6;
	s7 =	simm.s32 @p2 $0x1082  }
0x22: {  	[simem:s7], [sflag:s8] =	dma.local @!p0 [hbm:s6], $0xF7A  }
0x23: {  	s9 =	sor.u32 $0xD0000000, s2;
	s6 =	simm.s32 $0x108;
	_ =	swait.ge @!p0 [sflag:s8], $0x0  }
0x24: {  	s3 =	sadd.s32 $0x88, s3;
	s6 =	simm.s32 @!p1 $0x1082;
	[sflag:s4] =	ssyncset.s32 $0xFFFFF086  }
0x25: {  	[simem:s6], [sflag:s4] =	dma.local [hbm:s3], $0xF7A  }
0x26: {  	[smem:$0x3F9C] =	sst s1;
	(tag) =	ssettag s2;
	_ =	strace s9  }
0x27: {  	s1 =	sld [smem:$0x3FAC]  }
0x28: {  	s2 =	sld [smem:$0x3FAD]  }
0x29: {  	s4 =	sld [smem:$0x3FAF]  }
0x2a: {  	p0 =	seq.s32 s5, $0x0;
	s5 =	sld [smem:$0x3FB0]  }
0x2b: {  	s6 =	sld [smem:$0x3FB1]  }
0x2c: {  	s7 =	sld [smem:$0x3FB2]  }
0x2d: {  	s3 =	simm.s32 $0x108;
	s8 =	sld [smem:$0x3FB3]  }
0x2e: {  	s3 =	simm.s32 @!p0 $0x1082;
	s9 =	sld [smem:$0x3FB4]  }
0x2f: {  	lr =	sadd.s32 s0, s3;
	s0 =	sld [smem:$0x3FAB]  }
0x30: {  	s3 =	sld [smem:$0x3FAE]  }
0x31: {  	[smem:$0x3FB7] =	sst s10  }
0x32: {  	s10 =	sld [smem:$0x3FB5];
	_ =	sdelay $0x3  }
0x33: {  	p0 =	seq.s32 s10, $0x1;
	s10 =	sld [smem:$0x3FB7];
	_ =	sdelay $0x3  }
0x34: {  	[smem:$0x3FB7] =	sst s10  }
0x35: {  	s10 =	sld [smem:$0x3FB6];
	_ =	sdelay $0x3  }
0x36: {  	p1 =	seq.s32 s10, $0x1;
	s10 =	sld [smem:$0x3FB7];
	_ =	sdelay $0x3  }
0x37: {  	[smem:$0x3FB7] =	sst s10  }
0x38: {  	s10 =	sld [smem:$0x3FB8]  }
0x39: {  	_ = 	snop;
	(pc) =	sbr.ind lr, $3  }
0x3a: {  	_ = 	snop  }
0x3b: {  	_ = 	snop  }
0x3c: {  	p2 =	seq.s32 s10, $0x1;
	s10 =	sld [smem:$0x3FB7]  }
0x3d: {  	_ =	shalt  }
0x3e: {  	_ =	shalt  }
0x3f: {  	_ =	shalt  }
0x40: {  	_ =	shalt  }
0x41: {  	_ =	shalt  }
0x42: {  	_ =	shalt  }
0x43: {  	_ =	shalt  }
0x44: {  	_ =	shalt  }
0x45: {  	_ =	shalt  }
0x46: {  	_ =	shalt  }
0x47: {  	_ =	shalt  }
0x48: {  	_ =	shalt  }
0x49: {  	_ =	shalt  }
0x4a: {  	_ =	shalt  }
0x4b: {  	_ =	shalt  }
0x4c: {  	_ =	shalt  }
0x4d: {  	_ =	shalt  }
0x4e: {  	_ =	shalt  }
0x4f: {  	_ =	shalt  }
0x50: {  	_ =	shalt  }
0x51: {  	_ =	shalt  }
0x52: {  	_ =	shalt  }
0x53: {  	_ =	shalt  }
0x54: {  	_ =	shalt  }
0x55: {  	_ =	shalt  }
0x56: {  	_ =	shalt  }
0x57: {  	_ =	shalt  }
0x58: {  	_ =	shalt  }
0x59: {  	_ =	shalt  }
0x5a: {  	_ =	shalt  }
0x5b: {  	_ =	shalt  }
0x5c: {  	_ =	shalt  }
0x5d: {  	_ =	shalt  }
0x5e: {  	_ =	shalt  }
0x5f: {  	_ =	shalt  }
0x60: {  	_ =	shalt  }
0x61: {  	_ =	shalt  }
0x62: {  	_ =	shalt  }
0x63: {  	_ =	shalt  }
0x64: {  	_ =	shalt  }
0x65: {  	_ =	shalt  }
0x66: {  	_ =	shalt  }
0x67: {  	_ =	shalt  }
0x68: {  	_ =	shalt  }
0x69: {  	_ =	shalt  }
0x6a: {  	_ =	shalt  }
0x6b: {  	_ =	shalt  }
0x6c: {  	_ =	shalt  }
0x6d: {  	_ =	shalt  }
0x6e: {  	_ =	shalt  }
0x6f: {  	_ =	shalt  }
0x70: {  	_ =	shalt  }
0x71: {  	_ =	shalt  }
0x72: {  	_ =	shalt  }
0x73: {  	_ =	shalt  }
0x74: {  	_ =	shalt  }
0x75: {  	_ =	shalt  }
0x76: {  	_ =	shalt  }
0x77: {  	_ =	shalt  }
0x78: {  	_ =	shalt  }
0x79: {  	_ =	shalt  }
0x7a: {  	_ =	shalt  }
0x7b: {  	_ =	shalt  }
0x7c: {  	_ =	shalt  }
0x7d: {  	_ =	shalt  }
0x7e: {  	_ =	shalt  }
0x7f: {  	_ =	shalt  }
0x80: {  	_ =	shalt  }
0x81: {  	_ =	shalt  }
0x82: {  	_ =	shalt  }
0x83: {  	_ =	shalt  }
0x84: {  	_ =	shalt  }
0x85: {  	_ =	shalt  }
0x86: {  	_ =	shalt  }
0x87: {  	_ =	shalt  }
.Lfunc_end0:
.L_simem_size_0:
called_computation.1_lowered:
.L_overlay_start_0:
0x88: {  	s2 =	sld [smem:$0x3FD9]  }
0x89: {  	s3 =	sld [smem:$0x3FFE];
	_ =	sdelay $0x1  }
0x8a: {  	s1 =	srdreg.scid  }
0x8b: {  	s0 =	sand.u32 $0x1, s1  }
0x8c: {  	s14 =	sshll.u32 s0, $0xA;
	s2 =	sadd.s32 s3, s2  }
0x8d: {  	s2 =	sadd.s32 s2, s14  }
0x8e: {  	[smem:$0x3FC3] =	sst s2  }
0x8f: {  	_ = 	snop  }
0x90: {  	s2 =	sld [smem:$0x3FD0];
	_ =	sdelay $0x2  }
0x91: {  	s15 =	simm.s32 $0xA;
	s4 =	simm.s32 $0x10  }
0x92: {  	[smem:s4], [sflag:s15] =	dma.local [hbm:s2], $0x1  }
0x93: {  	_ =	swait.eq [sflag:s15], $0x1  }
0x94: {  	[sflag:s15] =	ssyncset.done $0x0  }
0x95: {  	[sflag:s15] =	ssyncadd.s32 $0xFFFFFFFF  }
0x96: {  	s16 =	sld [smem:$0x10];
	(tm) =	ssettm $0x1  }
0x97: {  	s17 =	sld [smem:$0x3FFB];
	_ =	sdelay $0x3  }
0x98: {  	_ =	strace s17  }
0x99: {  	s3 =	sld [smem:$0x3FFC];
	_ =	sdelay $0x3  }
0x9a: {  	_ =	strace s3  }
0x9b: {  	s3 =	sld [smem:$0x3FFD];
	_ =	sdelay $0x3  }
0x9c: {  	_ =	strace s3  }
0x9d: {  	_ =	strace $0x8FFFFFFF  }
0x9e: {  	s18 =	sld [smem:$0x3FDB];
	_ =	sdelay $0x1  }
0x9f: {  	s19 =	simm.s32 $_scs_section_size  }
0xa0: {  	s5 =	simm.s32 $_size__tile_overlayer_lowered;
	s6 =	simm.s32 $_tile_overlayer_lowered  }
0xa1: {  	s22 =	simm.s32 $0x1BFF;
	s21 =	sshll.u32 s6, $0x1;
	s3 =	sadd.s32 s19, s18  }
0xa2: {  	s7 =	simm.s32 $0x0;
	s20 =	sshll.u32 s5, $0x1;
	s5 =	sadd.s32 s21, s3  }
0xa3: {  	[timem:s7], [sflag:s22] =	dma.local [hbm:s5], s20  }
0xa4: {  	_ =	swait.ge [sflag:s22], s20  }
0xa5: {  	s4 =	ssub.s32 $0x0, s20;
	[sflag:s22] =	ssyncset.done $0x0  }
0xa6: {  	[sflag:s22] =	ssyncadd.s32 s4;
	_ =	sdelay $0x1  }
0xa7: {  	s23 =	simm.s32 $0x1B8B  }
0xa8: {  	_ =	swait.ge [sflag:s23], $0x1  }
0xa9: {  	[sflag:s23] =	ssyncset.done $0x0  }
0xaa: {  	s25 =	simm.s32 $0x1B8E;
	s24 =	sld [smem:$0x3FFE];
	[sflag:s23] =	ssyncadd.s32 $0xFFFFFFFF  }
0xab: {  	s26 =	simm.s32 $execute0_lowered;
	[smem:$0x3FD2] =	sst s25  }
0xac: {  	s5 =	sshll.u32 s26, $0x1;
	_ =	strace $0x80000049;
	[dreg:$0x1] =	wrdreg $0xFFFFFFFF  }
0xad: {  	s28 =	simm.s32 $_size_execute0_lowered;
	s3 =	sadd.s32 s3, s5;
	[dreg:$0x0] =	wrdreg $0x0  }
0xae: {  	s5 =	sshll.u32 s28, $0x1;
	[dreg:$0x2] =	wrdreg s3  }
0xaf: {  	[dreg:$0x3] =	wrdreg s5  }
0xb0: {  	[dreg:$0x4] =	wrdreg $0xC0  }
0xb1: {  	_ =	task [dreg:s7], $0x5FFFF  }
0xb2: {  	[dreg:$0x1] =	wrdreg $0xFFFFFFFF  }
0xb3: {  	[dreg:$0x0] =	wrdreg $0x60  }
0xb4: {  	[dreg:$0x2] =	wrdreg s24  }
0xb5: {  	[dreg:$0x3] =	wrdreg s16  }
0xb6: {  	[dreg:$0x4] =	wrdreg $0x7D000  }
0xb7: {  	[dreg:$0x5] =	wrdreg $0x9  }
0xb8: {  	_ =	task.clear_ibuf [dreg:s7], $0x6FFFF;
	_ =	strace $0x90000049  }
0xb9: {  	s29 =	simm.s32 $0x9;
	_ =	strace $0x8000004B  }
0xba: {  	_ =	swait.ge [sflag:s29], $0x1  }
0xbb: {  	[sflag:s29] =	ssyncadd.s32 $0xFFFFFFFF  }
0xbc: {  	_ =	strace $0x9000004B  }
0xbd: {  	_ =	sfence  }
0xbe: {  	s30 =	sld [smem:$0x0];
	_ =	sdelay $0x2  }
0xbf: {  	s31 =	sshll.u32 s1, $0xD;
	s1 =	sshrl.u32 s1, $0x2  }
0xc0: {  	s3 =	sand.u32 $0x4000, s31;
	s1 =	sadd.s32 s1, s30  }
0xc1: {  	s0 =	sor.u32 s3, s0;
	s1 =	sshll.u32 s1, $0x11  }
0xc2: {  	s0 =	sor.u32 s1, s0  }
0xc3: {  	s0 =	sadd.s32 $0x8F2B, s0  }
0xc4: {  	[sflag:s0] =	ssyncadd.remote.s32 $0x1  }
0xc5: {  	_ =	sfence.sel $0xFFFF  }
0xc6: {  	[dreg:$0x0] =	wrdreg $0xFFFFFFFF;
	(pc) =	sbr.abs _section_cstart, $3  }
0xc7: {  	[dreg:$0x1] =	wrdreg $0xFFFFFFFF  }
0xc8: {  	_ =	task.clear_ibuf [dreg:s7], $0x2FFFF;
	_ =	strace $0x9FFFFFFF  }
0xc9: {  	(tm) =	ssettm $0x7FFFFFFF  }
tec
execute0_lowered:
.L_overlay_start_1:
0x0: {  	(tag) =	ssettag $0x1  }
0x1: {  	s5 =	rddreg [dreg:$0x0]  }
0x2: {  	s2 =	rddreg [dreg:$0x1]  }
0x3: {  	s0 =	srdreg.scid;
	s3 =	rddreg [dreg:$0x2]  }
0x4: {  	s4 =	simm.s32 $0x0;
	s14 =	simm.s32 $0x80;
	s15 =	simm.s32 $0x5D00  }
0x5: {  	s16 =	simm.s32 $0x0;
	s8 =	sand.u32 $0x1, s0;
	s0 =	stileid.u32  }
0x6: {  	[smem:$0x7FF] =	sst s4;
	s1 =	sshll.u32 s8, $0x4;
	s7 =	smul.u32 $0x9E00, s0  }
0x7: {  	s9 =	smul.u32 $0x9E000, s8;
	s11 =	ssub.s32 $0x2, s8;
	s30 =	sshll.u32 s0, $0x6  }
0x8: {  	p0 =	seq.s32 s8, $0x0;
	s8 =	simm.s32 $0x5D;
	s1 =	sor.u32 s0, s1  }
0x9: {  	s12 =	sshrl.u32 s11, $0x1;
	s8 =	simm.s32 @!p0 $0x41;
	s6 =	smul.u32 $0x5D0, s1  }
0xa: {  	s1 =	rddreg [dreg:$0x3];
	_ =	strace $0x8000004A;
	s29 =	sshrl.u32 s7, $0x3  }
0xb: {  	s9 =	sadd.s32 s7, s9;
	s11 =	ssub.s32 s11, s12;
	s31 =	sadd.s32 s7, s3  }
0xc: {  	s9 =	sshrl.u32 s9, $0x3;
	s11 =	smax.u32 s11, $0x1;
	s12 =	sshrl.u32 s31, $0x3  }
0xd: {  	s10 =	sadd.s32 s6, s5;
	s6 =	sadd.s32 s29, s5;
	s13 =	sadd.s32 s9, s5  }
0xe: {  	s5 =	sadd.s32 $0x2BA00, s6;
	s6 =	sor.u32 $0x1C01, s30;
	s7 =	sadd.s32 $0xC400, s10  }
0xf: {  	s9 =	sadd.s32 $0xA00, s10;
	s10 =	sadd.s32 $0x3F600, s13;
	s13 =	simm.s32 $0x1  }
.LBB2_1:
0x10: {  	[spmem:s12], [sflag:s6] =	dma.local [hbm:s5], $0x13C0  }
0x11: {  	_ =	swait.ge [sflag:s13], $0x13C0  }
0x12: {  	[sflag:s13] =	ssyncset.done $0x0  }
0x13: {  	[sflag:s13] =	ssyncadd.s32 $0xFFFFEC40  }
0x14: {  	[tilespmem:s4], [sflag:$0x1] =	stream.linear.gather [hbm4b:s7+s4], $0x2E80, $0x38;
	[tilespmem:$0x11B00] =	vst v63  }
0x15: {  	_ =	swait.ge [sflag:s13], $0x2E80  }
0x16: {  	[sflag:s13] =	ssyncset.done $0x0  }
0x17: {  	s17 =	simm.s32 $0x2E80;
	[sflag:s13] =	ssyncadd.s32 $0xFFFFD180  }
0x18: {  	[tilespmem:s17], [sflag:$0x1] =	stream.linear.gather [hbm4b:s9+s4], $0x2E80, $0x38;
	[tilespmem:$0x11B00] =	vst v63  }
0x19: {  	_ =	swait.ge [sflag:s13], $0x2E80  }
0x1a: {  	[sflag:s13] =	ssyncset.done $0x0  }
0x1b: {  	[sflag:s13] =	ssyncadd.s32 $0xFFFFD180  }
0x1c: {  	[bflag:$0x0] =	sbarrier.arrive $0xFFFF  }
0x1d: {  	[tilespmem:s15], [sflag:$0x1] =	stream.indirect.gather [hbm4b:s2+s14], $0x40, s4, s14, $0xb8;
	[tilespmem:$0x11B00] =	vst v63  }
0x1e: {  	p0 =	sne.s32 s8, $0x1;
	_ =	swait.ge [sflag:s13], $0x2000  }
.Ltmp0:
0x1f: {  	[sflag:s13] =	ssyncset.done $0x0;
	(pc) =	sbr.rel @!p0 .LBB2_3-.Ltmp0, $4  }
0x20: {  	[sflag:s13] =	ssyncadd.s32 $0xFFFFE000  }
0x21: {  	[spmem:s3] =	stream.indirect.scatter.add.f32 [tilespmem:s15], [sflag:$0x1], $0x40, s17, s14, $0xb8;
	[tilespmem:$0x11B00] =	vst v63  }
0x22: {  	_ =	swait.ge [sflag:s13], $0x2000  }
0x23: {  	s18 =	sadd.s32 $0xFFFFFFFF, s8;
	s19 =	simm.s32 $0x0;
	[sflag:s13] =	ssyncset.done $0x0  }
.LBB2_2:
0x24: {  	[sflag:s13] =	ssyncadd.s32 $0xFFFFE000;
	s19 =	sadd.s32 $0x80, s19;
	s17 =	sadd.s32 $0x80, s17  }
0x25: {  	[tilespmem:s15], [sflag:$0x1] =	stream.indirect.gather [hbm4b:s2+s14], $0x40, s19, s14, $0xb8;
	[tilespmem:$0x11B00] =	vst v63  }
0x26: {  	p0 =	sne.s32 s18, $0x1;
	s18 =	sadd.s32 $0xFFFFFFFF, s18;
	_ =	swait.ge [sflag:s13], $0x2000  }
.Ltmp1:
0x27: {  	[sflag:s13] =	ssyncset.done $0x0;
	(pc) =	sbr.rel @p0 .LBB2_2-.Ltmp1, $4  }
0x28: {  	[sflag:s13] =	ssyncadd.s32 $0xFFFFE000  }
0x29: {  	[spmem:s3] =	stream.indirect.scatter.add.f32 [tilespmem:s15], [sflag:$0x1], $0x40, s17, s14, $0xb8;
	[tilespmem:$0x11B00] =	vst v63  }
0x2a: {  	_ =	swait.ge [sflag:s13], $0x2000  }
0x2b: {  	[sflag:s13] =	ssyncset.done $0x0  }
.LBB2_3:
0x2c: {  	s16 =	sadd.s32 $0x1, s16  }
0x2d: {  	[sflag:s13] =	ssyncadd.s32 $0xFFFFE000;
	p0 =	sne.s32 s16, s11  }
.Ltmp2:
0x2e: {  	[bflag:$0x0] =	sbarrier.arrive $0xFFFF;
	(pc) =	sbr.rel @p0 .LBB2_1-.Ltmp2, $4  }
0x2f: {  	[hbm:s10], [sflag:s6] =	dma.local [spmem:s12], $0x13C0  }
0x30: {  	_ =	swait.ge [sflag:s13], $0x13C0  }
0x31: {  	[sflag:s13] =	ssyncset.done $0x0  }
0x32: {  	[sflag:s13] =	ssyncadd.s32 $0xFFFFEC40  }
0x33: {  	_ =	sfence.sel $0x180000  }
0x34: {  	[bflag:$0x0] =	sbarrier.arrive $0xFFFF  }
0x35: {  	p0 =	sne.s32 s0, $0x0;
	_ =	strace $0x9000004A  }
0x36: {  	s0 =	sadd.s32 @!p0 $0x100000, s1;
	[bflag:$0x2] =	sbarrier.arrive $0xFFFF  }
0x37: {  	[sflag:s0] =	ssyncadd.tile.s32 @!p0 $0x1;
	_ =	shalt  }
.Lfunc_end2:
_tile_overlayer_lowered:
.L_overlay_start_2:
0x38: {  	(tag) =	ssettag $0x2  }
0x39: {  	s0 =	rddreg [dreg:$0x0];
	s2 =	stileid.u32  }
0x3a: {  	s1 =	rddreg [dreg:$0x1];
	p0 =	sne.s32 s2, $0x0  }
0x3b: {  	s3 =	rddreg [dreg:$0x2];
	[bflag:$0x3] =	sbarrier.arrive $0xFFFF;
	s2 =	simm.s32 @!p0 $0x1C01  }
0x3c: {  	[timem:s3], [sflag:s2] =	dma.local @!p0 [hbm:s0], s1  }
0x3d: {  	s0 =	simm.s32 @!p0 $0x1  }
0x3e: {  	_ =	swait.ge @!p0 [sflag:s0], s1  }
0x3f: {  	s1 =	ssub.s32 @!p0 $0x0, s1;
	[sflag:s0] =	ssyncset.done @!p0 $0x0  }
0x40: {  	[sflag:s0] =	ssyncadd.s32 @!p0 s1  }
0x41: {  	[bflag:$0x3] =	sbarrier.arrive $0xFFFF  }
0x42: {  	_ =	shalt  }

// kernel: kernel.8.cloned.1.call-start
scs
__scs_entry_jumppad:
0x0: {  	(pc) =	sbr.rel $0x88, $3  }
0x1: {  	(tag) =	ssettag $0x0;
	lr =	simm.s32 $0x1  }
0x2: {  	[smem:$0x3F9C] =	sst lr;
	_ =	strace $0xD0000000  }
0x3: {  	_ = 	snop  }
0x4: {  	_ = 	snop  }
0x5: {  	_ = 	snop  }
0x6: {  	_ = 	snop  }
0x7: {  	_ = 	snop  }
__scs_overlays_trampoline_lowered:
0x8: {  	[smem:$0x3FAB] =	sst s0  }
0x9: {  	[smem:$0x3FAC] =	sst s1  }
0xa: {  	[smem:$0x3FAD] =	sst s2  }
0xb: {  	[smem:$0x3FAE] =	sst s3  }
0xc: {  	[smem:$0x3FAF] =	sst s4  }
0xd: {  	[smem:$0x3FB0] =	sst s5  }
0xe: {  	[smem:$0x3FB1] =	sst s6  }
0xf: {  	[smem:$0x3FB2] =	sst s7  }
0x10: {  	[smem:$0x3FB3] =	sst s8  }
0x11: {  	[smem:$0x3FB4] =	sst s9;
	s0 =	simm.s32 @!p0 $0x0  }
0x12: {  	s1 =	sld [smem:$0x3F9A];
	s0 =	simm.s32 @p0 $0x1  }
0x13: {  	[smem:$0x3FB5] =	sst s0;
	s0 =	simm.s32 @!p1 $0x0  }
0x14: {  	s2 =	sld [smem:$0x3F99];
	s0 =	simm.s32 @p1 $0x1  }
0x15: {  	[smem:$0x3FB6] =	sst s0;
	s0 =	simm.s32 @!p2 $0x0  }
0x16: {  	s3 =	sld [smem:$0x3FDB];
	s0 =	simm.s32 @p2 $0x1  }
0x17: {  	s4 =	simm.s32 $0x1BF5;
	[smem:$0x3FB8] =	sst s0  }
0x18: {  	s0 =	sld [smem:$0x3F9B];
	_ =	swait.ge [sflag:s4], $0x0  }
0x19: {  	s7 =	sld [smem:$0x3F9C]  }
0x1a: {  	s8 =	sadd.s32 $0xFFFFE003, lr  }
0x1b: {  	s9 =	sadd.s32 $0xFFFFFEF7, lr;
	s5 =	simm.s32 $0xFFFFFFFF;
	p2 =	slt.u32 s8, $0xFFFFF086  }
0x1c: {  	p1 =	slt.u32 s9, $0xF7A;
	s5 =	simm.s32 @!p2 $0x0  }
0x1d: {  	s5 =	simm.s32 @p1 $0x1;
	p0 =	seq.s32 s7, s2  }
0x1e: {  	s7 =	smul.u32 @!p0 $0xF7A, s2;
	p2 =	seq.s32 @!p0 s5, $0x0  }
0x1f: {  	s9 =	smul.u32 $0xF7A, s1;
	s8 =	simm.s32 @!p0 $0x1BF5;
	p2 =	por !p2, p0  }
0x20: {  	[sflag:s8] =	ssyncset.s32 @!p0 $0xFFFFF086;
	s6 =	sadd.s32 @!p0 s3, s7;
	s7 =	simm.s32 @!p0 $0x108  }
0x21: {  	s3 =	sadd.s32 s3, s9;
	s6 =	sadd.s32 @!p0 $0x88, s6;
	s7 =	simm.s32 @p2 $0x1082  }
0x22: {  	[simem:s7], [sflag:s8] =	dma.local @!p0 [hbm:s6], $0xF7A  }
0x23: {  	s9 =	sor.u32 $0xD0000000, s2;
	s6 =	simm.s32 $0x108;
	_ =	swait.ge @!p0 [sflag:s8], $0x0  }
0x24: {  	s3 =	sadd.s32 $0x88, s3;
	s6 =	simm.s32 @!p1 $0x1082;
	[sflag:s4] =	ssyncset.s32 $0xFFFFF086  }
0x25: {  	[simem:s6], [sflag:s4] =	dma.local [hbm:s3], $0xF7A  }
0x26: {  	[smem:$0x3F9C] =	sst s1;
	(tag) =	ssettag s2;
	_ =	strace s9  }
0x27: {  	s1 =	sld [smem:$0x3FAC]  }
0x28: {  	s2 =	sld [smem:$0x3FAD]  }
0x29: {  	s4 =	sld [smem:$0x3FAF]  }
0x2a: {  	p0 =	seq.s32 s5, $0x0;
	s5 =	sld [smem:$0x3FB0]  }
0x2b: {  	s6 =	sld [smem:$0x3FB1]  }
0x2c: {  	s7 =	sld [smem:$0x3FB2]  }
0x2d: {  	s3 =	simm.s32 $0x108;
	s8 =	sld [smem:$0x3FB3]  }
0x2e: {  	s3 =	simm.s32 @!p0 $0x1082;
	s9 =	sld [smem:$0x3FB4]  }
0x2f: {  	lr =	sadd.s32 s0, s3;
	s0 =	sld [smem:$0x3FAB]  }
0x30: {  	s3 =	sld [smem:$0x3FAE]  }
0x31: {  	[smem:$0x3FB7] =	sst s10  }
0x32: {  	s10 =	sld [smem:$0x3FB5];
	_ =	sdelay $0x3  }
0x33: {  	p0 =	seq.s32 s10, $0x1;
	s10 =	sld [smem:$0x3FB7];
	_ =	sdelay $0x3  }
0x34: {  	[smem:$0x3FB7] =	sst s10  }
0x35: {  	s10 =	sld [smem:$0x3FB6];
	_ =	sdelay $0x3  }
0x36: {  	p1 =	seq.s32 s10, $0x1;
	s10 =	sld [smem:$0x3FB7];
	_ =	sdelay $0x3  }
0x37: {  	[smem:$0x3FB7] =	sst s10  }
0x38: {  	s10 =	sld [smem:$0x3FB8]  }
0x39: {  	_ = 	snop;
	(pc) =	sbr.ind lr, $3  }
0x3a: {  	_ = 	snop  }
0x3b: {  	_ = 	snop  }
0x3c: {  	p2 =	seq.s32 s10, $0x1;
	s10 =	sld [smem:$0x3FB7]  }
0x3d: {  	_ =	shalt  }
0x3e: {  	_ =	shalt  }
0x3f: {  	_ =	shalt  }
0x40: {  	_ =	shalt  }
0x41: {  	_ =	shalt  }
0x42: {  	_ =	shalt  }
0x43: {  	_ =	shalt  }
0x44: {  	_ =	shalt  }
0x45: {  	_ =	shalt  }
0x46: {  	_ =	shalt  }
0x47: {  	_ =	shalt  }
0x48: {  	_ =	shalt  }
0x49: {  	_ =	shalt  }
0x4a: {  	_ =	shalt  }
0x4b: {  	_ =	shalt  }
0x4c: {  	_ =	shalt  }
0x4d: {  	_ =	shalt  }
0x4e: {  	_ =	shalt  }
0x4f: {  	_ =	shalt  }
0x50: {  	_ =	shalt  }
0x51: {  	_ =	shalt  }
0x52: {  	_ =	shalt  }
0x53: {  	_ =	shalt  }
0x54: {  	_ =	shalt  }
0x55: {  	_ =	shalt  }
0x56: {  	_ =	shalt  }
0x57: {  	_ =	shalt  }
0x58: {  	_ =	shalt  }
0x59: {  	_ =	shalt  }
0x5a: {  	_ =	shalt  }
0x5b: {  	_ =	shalt  }
0x5c: {  	_ =	shalt  }
0x5d: {  	_ =	shalt  }
0x5e: {  	_ =	shalt  }
0x5f: {  	_ =	shalt  }
0x60: {  	_ =	shalt  }
0x61: {  	_ =	shalt  }
0x62: {  	_ =	shalt  }
0x63: {  	_ =	shalt  }
0x64: {  	_ =	shalt  }
0x65: {  	_ =	shalt  }
0x66: {  	_ =	shalt  }
0x67: {  	_ =	shalt  }
0x68: {  	_ =	shalt  }
0x69: {  	_ =	shalt  }
0x6a: {  	_ =	shalt  }
0x6b: {  	_ =	shalt  }
0x6c: {  	_ =	shalt  }
0x6d: {  	_ =	shalt  }
0x6e: {  	_ =	shalt  }
0x6f: {  	_ =	shalt  }
0x70: {  	_ =	shalt  }
0x71: {  	_ =	shalt  }
0x72: {  	_ =	shalt  }
0x73: {  	_ =	shalt  }
0x74: {  	_ =	shalt  }
0x75: {  	_ =	shalt  }
0x76: {  	_ =	shalt  }
0x77: {  	_ =	shalt  }
0x78: {  	_ =	shalt  }
0x79: {  	_ =	shalt  }
0x7a: {  	_ =	shalt  }
0x7b: {  	_ =	shalt  }
0x7c: {  	_ =	shalt  }
0x7d: {  	_ =	shalt  }
0x7e: {  	_ =	shalt  }
0x7f: {  	_ =	shalt  }
0x80: {  	_ =	shalt  }
0x81: {  	_ =	shalt  }
0x82: {  	_ =	shalt  }
0x83: {  	_ =	shalt  }
0x84: {  	_ =	shalt  }
0x85: {  	_ =	shalt  }
0x86: {  	_ =	shalt  }
0x87: {  	_ =	shalt  }
.Lfunc_end0:
.L_simem_size_0:
called_computation_lowered:
.L_overlay_start_0:
0x88: {  	s2 =	sld [smem:$0x3FD9]  }
0x89: {  	s3 =	sld [smem:$0x3FFE];
	_ =	sdelay $0x1  }
0x8a: {  	s1 =	srdreg.scid  }
0x8b: {  	s0 =	sand.u32 $0x1, s1  }
0x8c: {  	s14 =	sshll.u32 s0, $0xA;
	s2 =	sadd.s32 s3, s2  }
0x8d: {  	s2 =	sadd.s32 s2, s14  }
0x8e: {  	[smem:$0x3FC3] =	sst s2  }
0x8f: {  	_ = 	snop  }
0x90: {  	s2 =	sld [smem:$0x3FD0];
	_ =	sdelay $0x2  }
0x91: {  	s15 =	simm.s32 $0xA;
	s4 =	simm.s32 $0x10  }
0x92: {  	[smem:s4], [sflag:s15] =	dma.local [hbm:s2], $0x1  }
0x93: {  	_ =	swait.eq [sflag:s15], $0x1  }
0x94: {  	[sflag:s15] =	ssyncset.done $0x0  }
0x95: {  	[sflag:s15] =	ssyncadd.s32 $0xFFFFFFFF  }
0x96: {  	s16 =	sld [smem:$0x10];
	(tm) =	ssettm $0x1  }
0x97: {  	s17 =	sld [smem:$0x3FFB];
	_ =	sdelay $0x3  }
0x98: {  	_ =	strace s17  }
0x99: {  	s3 =	sld [smem:$0x3FFC];
	_ =	sdelay $0x3  }
0x9a: {  	_ =	strace s3  }
0x9b: {  	s3 =	sld [smem:$0x3FFD];
	_ =	sdelay $0x3  }
0x9c: {  	_ =	strace s3  }
0x9d: {  	_ =	strace $0x8FFFFFFF  }
0x9e: {  	s18 =	sld [smem:$0x3FDB];
	_ =	sdelay $0x1  }
0x9f: {  	s19 =	simm.s32 $_scs_section_size  }
0xa0: {  	s5 =	simm.s32 $_size__tile_overlayer_lowered;
	s6 =	simm.s32 $_tile_overlayer_lowered  }
0xa1: {  	s22 =	simm.s32 $0x1BFF;
	s21 =	sshll.u32 s6, $0x1;
	s3 =	sadd.s32 s19, s18  }
0xa2: {  	s7 =	simm.s32 $0x0;
	s20 =	sshll.u32 s5, $0x1;
	s5 =	sadd.s32 s21, s3  }
0xa3: {  	[timem:s7], [sflag:s22] =	dma.local [hbm:s5], s20  }
0xa4: {  	_ =	swait.ge [sflag:s22], s20  }
0xa5: {  	s4 =	ssub.s32 $0x0, s20;
	[sflag:s22] =	ssyncset.done $0x0  }
0xa6: {  	[sflag:s22] =	ssyncadd.s32 s4;
	_ =	sdelay $0x1  }
0xa7: {  	s23 =	simm.s32 $0x1B8B  }
0xa8: {  	_ =	swait.ge [sflag:s23], $0x1  }
0xa9: {  	[sflag:s23] =	ssyncset.done $0x0  }
0xaa: {  	s25 =	simm.s32 $0x1B8E;
	s24 =	sld [smem:$0x3FFE];
	[sflag:s23] =	ssyncadd.s32 $0xFFFFFFFF  }
0xab: {  	s26 =	simm.s32 $execute0_lowered;
	[smem:$0x3FD2] =	sst s25  }
0xac: {  	s5 =	sshll.u32 s26, $0x1;
	_ =	strace $0x80000046;
	[dreg:$0x1] =	wrdreg $0xFFFFFFFF  }
0xad: {  	s28 =	simm.s32 $_size_execute0_lowered;
	s3 =	sadd.s32 s3, s5;
	[dreg:$0x0] =	wrdreg $0x0  }
0xae: {  	s5 =	sshll.u32 s28, $0x1;
	[dreg:$0x2] =	wrdreg s3  }
0xaf: {  	[dreg:$0x3] =	wrdreg s5  }
0xb0: {  	[dreg:$0x4] =	wrdreg $0xC0  }
0xb1: {  	_ =	task [dreg:s7], $0x5FFFF  }
0xb2: {  	[dreg:$0x1] =	wrdreg $0xFFFFFFFF  }
0xb3: {  	[dreg:$0x0] =	wrdreg $0x60  }
0xb4: {  	[dreg:$0x2] =	wrdreg s24  }
0xb5: {  	[dreg:$0x3] =	wrdreg s16  }
0xb6: {  	[dreg:$0x4] =	wrdreg $0x7D000  }
0xb7: {  	[dreg:$0x5] =	wrdreg $0x9  }
0xb8: {  	_ =	task.clear_ibuf [dreg:s7], $0x6FFFF;
	_ =	strace $0x90000046  }
0xb9: {  	s29 =	simm.s32 $0x9;
	_ =	strace $0x80000048  }
0xba: {  	_ =	swait.ge [sflag:s29], $0x1  }
0xbb: {  	[sflag:s29] =	ssyncadd.s32 $0xFFFFFFFF  }
0xbc: {  	_ =	strace $0x90000048  }
0xbd: {  	_ =	sfence  }
0xbe: {  	s30 =	sld [smem:$0x0];
	_ =	sdelay $0x2  }
0xbf: {  	s31 =	sshll.u32 s1, $0xD;
	s1 =	sshrl.u32 s1, $0x2  }
0xc0: {  	s3 =	sand.u32 $0x4000, s31;
	s1 =	sadd.s32 s1, s30  }
0xc1: {  	s0 =	sor.u32 s3, s0;
	s1 =	sshll.u32 s1, $0x11  }
0xc2: {  	s0 =	sor.u32 s1, s0  }
0xc3: {  	s0 =	sadd.s32 $0x8F2B, s0  }
0xc4: {  	[sflag:s0] =	ssyncadd.remote.s32 $0x1  }
0xc5: {  	_ =	sfence.sel $0xFFFF  }
0xc6: {  	[dreg:$0x0] =	wrdreg $0xFFFFFFFF;
	(pc) =	sbr.abs _section_cstart, $3  }
0xc7: {  	[dreg:$0x1] =	wrdreg $0xFFFFFFFF  }
0xc8: {  	_ =	task.clear_ibuf [dreg:s7], $0x2FFFF;
	_ =	strace $0x9FFFFFFF  }
0xc9: {  	(tm) =	ssettm $0x7FFFFFFF  }
tec
execute0_lowered:
.L_overlay_start_1:
0x0: {  	(tag) =	ssettag $0x1  }
0x1: {  	s5 =	rddreg [dreg:$0x0]  }
0x2: {  	s10 =	rddreg [dreg:$0x1]  }
0x3: {  	s0 =	srdreg.scid;
	s2 =	rddreg [dreg:$0x2]  }
0x4: {  	s3 =	simm.s32 $0x0;
	s15 =	simm.s32 $0x5D00;
	s16 =	simm.s32 $0x0  }
0x5: {  	s8 =	sand.u32 $0x1, s0;
	s0 =	stileid.u32;
	[smem:$0x7FF] =	sst s3  }
0x6: {  	s1 =	sshll.u32 s8, $0x4;
	s9 =	smul.u32 $0x9E00, s0;
	s6 =	ssub.s32 $0x2, s8  }
0x7: {  	s13 =	smul.u32 $0x9E000, s8;
	s31 =	sshll.u32 s0, $0x6;
	p0 =	seq.s32 s8, $0x0  }
0x8: {  	s8 =	simm.s32 $0x5D;
	s4 =	sor.u32 s0, s1;
	s1 =	rddreg [dreg:$0x3]  }
0x9: {  	_ =	strace $0x80000047;
	s12 =	sshrl.u32 s6, $0x1;
	s8 =	simm.s32 @!p0 $0x41  }
0xa: {  	s4 =	smul.u32 $0x5D0, s4;
	s7 =	sshrl.u32 s9, $0x3;
	s12 =	ssub.s32 s6, s12  }
0xb: {  	s14 =	sadd.s32 s9, s2;
	s6 =	sor.u32 $0x1C01, s31;
	s9 =	sadd.s32 s9, s13  }
0xc: {  	s13 =	sshrl.u32 s9, $0x3;
	s11 =	sadd.s32 s4, s5;
	s4 =	sadd.s32 $0x17E00, s5  }
0xd: {  	s5 =	sadd.s32 s7, s5;
	s10 =	sadd.s32 s10, s13;
	s13 =	simm.s32 $0x1  }
0xe: {  	s5 =	sadd.s32 $0x2BA00, s5;
	s7 =	sadd.s32 $0xC400, s11;
	s9 =	sadd.s32 $0xA00, s11  }
0xf: {  	s11 =	smax.u32 s12, $0x1;
	s12 =	sshrl.u32 s14, $0x3;
	s14 =	simm.s32 $0x80  }
.LBB2_1:
0x10: {  	[spmem:s12], [sflag:s6] =	dma.local [hbm:s5], $0x13C0  }
0x11: {  	_ =	swait.ge [sflag:s13], $0x13C0  }
0x12: {  	[sflag:s13] =	ssyncset.done $0x0  }
0x13: {  	[sflag:s13] =	ssyncadd.s32 $0xFFFFEC40  }
0x14: {  	[tilespmem:s3], [sflag:$0x1] =	stream.linear.gather [hbm4b:s7+s3], $0x2E80, $0x38;
	[tilespmem:$0x11B00] =	vst v63  }
0x15: {  	_ =	swait.ge [sflag:s13], $0x2E80  }
0x16: {  	[sflag:s13] =	ssyncset.done $0x0  }
0x17: {  	s17 =	simm.s32 $0x2E80;
	[sflag:s13] =	ssyncadd.s32 $0xFFFFD180  }
0x18: {  	[tilespmem:s17], [sflag:$0x1] =	stream.linear.gather [hbm4b:s9+s3], $0x2E80, $0x38;
	[tilespmem:$0x11B00] =	vst v63  }
0x19: {  	_ =	swait.ge [sflag:s13], $0x2E80  }
0x1a: {  	[sflag:s13] =	ssyncset.done $0x0  }
0x1b: {  	[sflag:s13] =	ssyncadd.s32 $0xFFFFD180  }
0x1c: {  	[bflag:$0x0] =	sbarrier.arrive $0xFFFF  }
0x1d: {  	[tilespmem:s15], [sflag:$0x1] =	stream.indirect.gather [hbm4b:s4+s14], $0x40, s3, s14, $0xb8;
	[tilespmem:$0x11B00] =	vst v63  }
0x1e: {  	p0 =	sne.s32 s8, $0x1;
	_ =	swait.ge [sflag:s13], $0x2000  }
.Ltmp0:
0x1f: {  	[sflag:s13] =	ssyncset.done $0x0;
	(pc) =	sbr.rel @!p0 .LBB2_3-.Ltmp0, $4  }
0x20: {  	[sflag:s13] =	ssyncadd.s32 $0xFFFFE000  }
0x21: {  	[spmem:s2] =	stream.indirect.scatter.add.f32 [tilespmem:s15], [sflag:$0x1], $0x40, s17, s14, $0xb8;
	[tilespmem:$0x11B00] =	vst v63  }
0x22: {  	_ =	swait.ge [sflag:s13], $0x2000  }
0x23: {  	s18 =	sadd.s32 $0xFFFFFFFF, s8;
	s19 =	simm.s32 $0x0;
	[sflag:s13] =	ssyncset.done $0x0  }
.LBB2_2:
0x24: {  	[sflag:s13] =	ssyncadd.s32 $0xFFFFE000;
	s19 =	sadd.s32 $0x80, s19;
	s17 =	sadd.s32 $0x80, s17  }
0x25: {  	[tilespmem:s15], [sflag:$0x1] =	stream.indirect.gather [hbm4b:s4+s14], $0x40, s19, s14, $0xb8;
	[tilespmem:$0x11B00] =	vst v63  }
0x26: {  	p0 =	sne.s32 s18, $0x1;
	s18 =	sadd.s32 $0xFFFFFFFF, s18;
	_ =	swait.ge [sflag:s13], $0x2000  }
.Ltmp1:
0x27: {  	[sflag:s13] =	ssyncset.done $0x0;
	(pc) =	sbr.rel @p0 .LBB2_2-.Ltmp1, $4  }
0x28: {  	[sflag:s13] =	ssyncadd.s32 $0xFFFFE000  }
0x29: {  	[spmem:s2] =	stream.indirect.scatter.add.f32 [tilespmem:s15], [sflag:$0x1], $0x40, s17, s14, $0xb8;
	[tilespmem:$0x11B00] =	vst v63  }
0x2a: {  	_ =	swait.ge [sflag:s13], $0x2000  }
0x2b: {  	[sflag:s13] =	ssyncset.done $0x0  }
.LBB2_3:
0x2c: {  	s16 =	sadd.s32 $0x1, s16  }
0x2d: {  	[sflag:s13] =	ssyncadd.s32 $0xFFFFE000;
	p0 =	sne.s32 s16, s11  }
.Ltmp2:
0x2e: {  	[bflag:$0x0] =	sbarrier.arrive $0xFFFF;
	(pc) =	sbr.rel @p0 .LBB2_1-.Ltmp2, $4  }
0x2f: {  	[hbm:s10], [sflag:s6] =	dma.local [spmem:s12], $0x13C0  }
0x30: {  	_ =	swait.ge [sflag:s13], $0x13C0  }
0x31: {  	[sflag:s13] =	ssyncset.done $0x0  }
0x32: {  	[sflag:s13] =	ssyncadd.s32 $0xFFFFEC40  }
0x33: {  	_ =	sfence.sel $0x180000  }
0x34: {  	[bflag:$0x0] =	sbarrier.arrive $0xFFFF  }
0x35: {  	p0 =	sne.s32 s0, $0x0;
	_ =	strace $0x90000047  }
0x36: {  	s0 =	sadd.s32 @!p0 $0x100000, s1;
	[bflag:$0x2] =	sbarrier.arrive $0xFFFF  }
0x37: {  	[sflag:s0] =	ssyncadd.tile.s32 @!p0 $0x1;
	_ =	shalt  }
.Lfunc_end2:
_tile_overlayer_lowered:
.L_overlay_start_2:
0x38: {  	(tag) =	ssettag $0x2  }
0x39: {  	s0 =	rddreg [dreg:$0x0];
	s2 =	stileid.u32  }
0x3a: {  	s1 =	rddreg [dreg:$0x1];
	p0 =	sne.s32 s2, $0x0  }
0x3b: {  	s3 =	rddreg [dreg:$0x2];
	[bflag:$0x3] =	sbarrier.arrive $0xFFFF;
	s2 =	simm.s32 @!p0 $0x1C01  }
0x3c: {  	[timem:s3], [sflag:s2] =	dma.local @!p0 [hbm:s0], s1  }
0x3d: {  	s0 =	simm.s32 @!p0 $0x1  }
0x3e: {  	_ =	swait.ge @!p0 [sflag:s0], s1  }
0x3f: {  	s1 =	ssub.s32 @!p0 $0x0, s1;
	[sflag:s0] =	ssyncset.done @!p0 $0x0  }
0x40: {  	[sflag:s0] =	ssyncadd.s32 @!p0 s1  }
0x41: {  	[bflag:$0x3] =	sbarrier.arrive $0xFFFF  }
0x42: {  	_ =	shalt  }

</sc_bundles>
